<compile_context>
chip_gen: v7x
topology: tpu7x:2x2x1
jax: 0.10.2.dev20260603
libtpu: 0.0.44.dev20260713+nightly
codegen_flags: <defaults>
</compile_context>

<pallas_src>
import functools

import jax
import jax.numpy as jnp
from jax import lax
from jax.experimental import pallas as pl
from jax.experimental.pallas import tpu as pltpu
from jax.experimental.pallas import tpu_sc as plsc

N = 10000
E = 320000
D0 = 128
D1 = 256
NC = 2
NS = 16
NW = NC * NS
EPT = E // NW
BS = 80
NB = EPT // BS
N_PAD = 10240
ROWS_PT = N_PAD // NS
DW = 128

_MESH = plsc.VectorSubcoreMesh(core_axis_name="c", subcore_axis_name="s")



@functools.partial(
    pl.kernel,
    out_type=jax.ShapeDtypeStruct((NC, N_PAD, DW), jnp.float32),
    mesh=_MESH,
    scratch_types=[
        pltpu.VMEM((NB, BS), jnp.int32),
        pltpu.VMEM((BS, DW), jnp.float32),
        pltpu.VMEM_SHARED((N_PAD, DW), jnp.float32),
    ],
)
def _sc_degree(dst_hbm, ones_hbm, z_hbm, out_hbm, dst_v, ones_v, acc_sh):
    cid = lax.axis_index("c")
    sid = lax.axis_index("s")
    wid = sid * NC + cid
    pltpu.sync_copy(dst_hbm.at[wid], dst_v)
    pltpu.sync_copy(ones_hbm, ones_v)
    pltpu.sync_copy(z_hbm, acc_sh.at[pl.ds(sid * ROWS_PT, ROWS_PT)])
    plsc.subcore_barrier()

    def body(j, carry):
        pltpu.sync_copy(ones_v, acc_sh.at[dst_v.at[j]], add=True)
        return carry

    lax.fori_loop(0, NB, body, 0)
    plsc.subcore_barrier()
    pltpu.sync_copy(acc_sh.at[pl.ds(sid * ROWS_PT, ROWS_PT)],
                    out_hbm.at[cid, pl.ds(sid * ROWS_PT, ROWS_PT)])


@functools.partial(
    pl.kernel,
    out_type=jax.ShapeDtypeStruct((NC, N_PAD, D0), jnp.float32),
    mesh=_MESH,
    scratch_types=[
        pltpu.VMEM((NB, BS), jnp.int32),
        pltpu.VMEM((NB, BS), jnp.int32),
        pltpu.VMEM((BS, D0), jnp.float32),
        pltpu.VMEM_SHARED((N_PAD, D0), jnp.float32),
        pltpu.SemaphoreType.DMA,
    ],
)
def _sc_aggregate(table_hbm, src_hbm, dst_hbm, z_hbm, out_hbm,
                  src_v, dst_v, rows_v, acc_sh, sem):
    cid = lax.axis_index("c")
    sid = lax.axis_index("s")
    wid = sid * NC + cid
    pltpu.sync_copy(src_hbm.at[wid], src_v)
    pltpu.sync_copy(dst_hbm.at[wid], dst_v)
    pltpu.sync_copy(z_hbm, acc_sh.at[pl.ds(sid * ROWS_PT, ROWS_PT)])
    plsc.subcore_barrier()

    def body(j, carry):
        pltpu.async_copy(table_hbm.at[src_v.at[j]], rows_v, sem).wait()
        pltpu.sync_copy(rows_v, acc_sh.at[dst_v.at[j]], add=True)
        return carry

    lax.fori_loop(0, NB, body, 0)
    plsc.subcore_barrier()
    pltpu.sync_copy(acc_sh.at[pl.ds(sid * ROWS_PT, ROWS_PT)],
                    out_hbm.at[cid, pl.ds(sid * ROWS_PT, ROWS_PT)])



def _tc_prep(x, degp_t):
    def body(x_ref, dp_ref, xt_ref, dinv_ref):
        deg = jnp.sum(dp_ref[...], axis=1, keepdims=True) + 1.0
        dinv = lax.rsqrt(deg)
        dinv_ref[...] = dinv
        xt_ref[...] = x_ref[...] * dinv

    return pl.pallas_call(
        body,
        out_shape=[
            jax.ShapeDtypeStruct((N, D0), jnp.float32),
            jax.ShapeDtypeStruct((N, 1), jnp.float32),
        ],
    )(x, degp_t)


def _graph_norm_relu(h, gamma, beta, alpha):
    mean = jnp.mean(h, axis=0, keepdims=True)
    o = h - alpha * mean
    var = jnp.mean(o * o, axis=0, keepdims=True)
    return jnp.maximum(gamma * o / jnp.sqrt(var + 1e-5) + beta, 0.0)


def _tc_layer0(s0a, s0b, xt, dinv, w0, b0, g0, be0, al0, w1):
    def body(s0a_ref, s0b_ref, xt_ref, dinv_ref, w0_ref, b0_ref, g0_ref,
             be0_ref, al0_ref, w1_ref, out_ref):
        dinv_v = dinv_ref[...]
        a0 = dinv_v * (s0a_ref[...] + s0b_ref[...] + xt_ref[...])
        h0 = jnp.dot(a0, w0_ref[...], preferred_element_type=jnp.float32)
        h0 = h0 + b0_ref[...]
        y0 = _graph_norm_relu(h0, g0_ref[...], be0_ref[...], al0_ref[...])
        h1 = jnp.dot(y0, w1_ref[...], preferred_element_type=jnp.float32)
        out_ref[...] = dinv_v * h1

    return pl.pallas_call(
        body,
        out_shape=jax.ShapeDtypeStruct((N, D0), jnp.float32),
    )(s0a, s0b, xt, dinv, w0, b0, g0, be0, al0, w1)


def _tc_layer1(s1a, s1b, ht1, dinv, b1, g1, be1, al1):
    def body(s1a_ref, s1b_ref, ht1_ref, dinv_ref, b1_ref, g1_ref, be1_ref,
             al1_ref, out_ref):
        a1 = dinv_ref[...] * (s1a_ref[...] + s1b_ref[...] + ht1_ref[...])
        a1 = a1 + b1_ref[...]
        out_ref[...] = _graph_norm_relu(a1, g1_ref[...], be1_ref[...],
                                        al1_ref[...])

    return pl.pallas_call(
        body,
        out_shape=jax.ShapeDtypeStruct((N, D0), jnp.float32),
    )(s1a, s1b, ht1, dinv, b1, g1, be1, al1)



def kernel(x, edge_index, W0, b0, gamma0, beta0, alpha0,
           W1, b1, gamma1, beta1, alpha1):
    src = edge_index[0]
    dst = edge_index[1]

    src3 = src.reshape(NW, NB, BS)
    dst3 = dst.reshape(NW, NB, BS)
    z = jnp.zeros((ROWS_PT, D0), jnp.float32)

    degp = _sc_degree(dst3, jnp.ones((BS, DW), jnp.float32), z)
    xt, dinv = _tc_prep(x, degp[:, :N, 0].T)

    s0 = _sc_aggregate(xt, src3, dst3, z)[:, :N]
    ht1 = _tc_layer0(
        s0[0], s0[1], xt, dinv, W0, b0.reshape(1, D1), gamma0.reshape(1, D1),
        beta0.reshape(1, D1), alpha0.reshape(1, D1), W1)

    s1 = _sc_aggregate(ht1, src3, dst3, z)[:, :N]
    return _tc_layer1(
        s1[0], s1[1], ht1, dinv, b1.reshape(1, D0), gamma1.reshape(1, D0),
        beta1.reshape(1, D0), alpha1.reshape(1, D0))

# --- scband reference (transcript-rebuilt; emitter-appended) ---
"""Pipeline reference for scband-encoder-34333968564693 (READ-ONLY COPY).

The authoritative reference and input builder live on the scoring server;
editing this copy changes nothing except your own understanding.
"""

import jax, jax.numpy as jnp
import numpy as np

N = 10000
E = 320000
D_IN = 128
D_OUT = 128


def gcn_conv(x, edge_index, W, b):
    # PyG GCNConv: add self-loops, symmetric normalization, linear transform, scatter-add aggregation
    n = x.shape[0]
    loops = jnp.arange(n, dtype=edge_index.dtype)
    src = jnp.concatenate([edge_index[0], loops])
    dst = jnp.concatenate([edge_index[1], loops])
    h = x @ W
    deg = jnp.zeros((n,), dtype=h.dtype).at[dst].add(1.0)
    dinv = jnp.where(deg > 0, jax.lax.rsqrt(deg), 0.0)
    norm = dinv[src] * dinv[dst]
    msg = h[src] * norm[:, None]
    out = jnp.zeros((n, h.shape[1]), dtype=h.dtype).at[dst].add(msg)
    return out + b


def graph_norm(x, gamma, beta, alpha, eps=1e-5):
    # PyG GraphNorm with a single graph (batch=None): per-channel stats over all nodes
    mean = jnp.mean(x, axis=0, keepdims=True)
    out = x - alpha * mean
    var = jnp.mean(out * out, axis=0, keepdims=True)
    return gamma * out / jnp.sqrt(var + eps) + beta


def setup_inputs(seed: int = 0) -> dict:
    key = jax.random.key(seed)
    ks = jax.random.split(key, 4)
    x = jax.random.normal(ks[0], (N, D_IN), dtype=jnp.float32)
    edge_index = jax.random.randint(ks[1], (2, E), 0, N, dtype=jnp.int32)
    # layer 0: GCNConv(D_IN -> 2*D_OUT) + GraphNorm(2*D_OUT)
    W0 = jax.random.normal(ks[2], (D_IN, 2 * D_OUT), dtype=jnp.float32) * (1.0 / np.sqrt(D_IN))
    b0 = jnp.zeros((2 * D_OUT,), dtype=jnp.float32)
    gamma0 = jnp.ones((2 * D_OUT,), dtype=jnp.float32)
    beta0 = jnp.zeros((2 * D_OUT,), dtype=jnp.float32)
    alpha0 = jnp.ones((2 * D_OUT,), dtype=jnp.float32)
    # layer 1: GCNConv(2*D_OUT -> D_OUT) + GraphNorm(D_OUT)
    W1 = jax.random.normal(ks[3], (2 * D_OUT, D_OUT), dtype=jnp.float32) * (1.0 / np.sqrt(2 * D_OUT))
    b1 = jnp.zeros((D_OUT,), dtype=jnp.float32)
    gamma1 = jnp.ones((D_OUT,), dtype=jnp.float32)
    beta1 = jnp.zeros((D_OUT,), dtype=jnp.float32)
    alpha1 = jnp.ones((D_OUT,), dtype=jnp.float32)
    return {"x": x, "edge_index": edge_index, "W0": W0, "b0": b0, "gamma0": gamma0, "beta0": beta0, "alpha0": alpha0, "W1": W1, "b1": b1, "gamma1": gamma1, "beta1": beta1, "alpha1": alpha1}


def reference(x, edge_index, W0, b0, gamma0, beta0, alpha0, W1, b1, gamma1, beta1, alpha1):
    h = gcn_conv(x, edge_index, W0, b0)
    h = graph_norm(h, gamma0, beta0, alpha0)
    h = jax.nn.relu(h)
    h = gcn_conv(h, edge_index, W1, b1)
    h = graph_norm(h, gamma1, beta1, alpha1)
    return jax.nn.relu(h)

if __name__ == "__main__":
    import jax
    _d = setup_inputs()
    print(jax.jit(kernel)(*tuple(_d.values())))

</pallas_src>

<mosaic_0001>
#map = affine_map<(d0, d1) -> (0, 0, 0)>
#map1 = affine_map<(d0, d1) -> (0, 0)>
module attributes {stable_mosaic.version = 14 : i64} {
  func.func @_sc_degree(%arg0: i32, %arg1: i32, %arg2: memref<32x125x80xi32, #tpu.memory_space<hbm>>, %arg3: memref<80x128xf32, #tpu.memory_space<hbm>>, %arg4: memref<640x128xf32, #tpu.memory_space<hbm>>, %arg5: memref<2x10240x128xf32, #tpu.memory_space<hbm>>, %arg6: memref<125x80xi32, #tpu.memory_space<vmem>>, %arg7: memref<80x128xf32, #tpu.memory_space<vmem>>, %arg8: memref<10240x128xf32, #tpu.memory_space<vmem_shared>>) attributes {dimension_semantics = [#tpu.dimension_semantics<core_parallel>, #tpu.dimension_semantics<subcore_parallel>], iteration_bounds = array<i64: 2, 16>, scalar_prefetch = 0 : i64, scratch_operands = 3 : i64, tpu.core_type = #tpu.core_type<sc_vector_subcore>, window_params = [{transform_indices = #map}, {transform_indices = #map1}, {transform_indices = #map1}, {transform_indices = #map}]} {
    %mul3A = arith.constant 2 : i32
    %mul3A_0 = arith.muli %arg1, %mul3A : i32
    %add3A = arith.addi %mul3A_0, %arg0 : i32
    "tpu.region"() ({
      %run_scoped3A = tpu.sem_alloc : memref<!tpu.dma_semaphore, #tpu.memory_space<semaphore_mem>>
      %dma_start3A = arith.constant 0 : i32
      %dma_start3A_13 = arith.constant 0 : i32
      %dma_start3A_14 = tpu.memref_slice %arg2[%add3A, %dma_start3A, %dma_start3A_13] : memref<32x125x80xi32, #tpu.memory_space<hbm>> -> memref<1x125x80xi32, #tpu.memory_space<hbm>>
      %dma_start3A_15 = tpu.memref_squeeze %dma_start3A_14 : memref<1x125x80xi32, #tpu.memory_space<hbm>> -> memref<125x80xi32, #tpu.memory_space<hbm>>
      %dma_start3A_16 = arith.constant 0 : i32
      %dma_start3A_17 = arith.constant 0 : i32
      %dma_start3A_18 = tpu.memref_slice %arg2[%add3A, %dma_start3A_16, %dma_start3A_17] : memref<32x125x80xi32, #tpu.memory_space<hbm>> -> memref<1x125x80xi32, #tpu.memory_space<hbm>>
      %dma_start3A_19 = tpu.memref_squeeze %dma_start3A_18 : memref<1x125x80xi32, #tpu.memory_space<hbm>> -> memref<125x80xi32, #tpu.memory_space<hbm>>
      tpu.enqueue_dma source(%dma_start3A_19 : memref<125x80xi32, #tpu.memory_space<hbm>>) target(%arg6 : memref<125x80xi32, #tpu.memory_space<vmem>>) target_semaphore(%run_scoped3A : memref<!tpu.dma_semaphore, #tpu.memory_space<semaphore_mem>>)
      %dma_wait3A = arith.constant 0 : i32
      %dma_wait3A_20 = arith.constant 0 : i32
      %dma_wait3A_21 = tpu.memref_slice %arg2[%add3A, %dma_wait3A, %dma_wait3A_20] : memref<32x125x80xi32, #tpu.memory_space<hbm>> -> memref<1x125x80xi32, #tpu.memory_space<hbm>>
      %dma_wait3A_22 = tpu.memref_squeeze %dma_wait3A_21 : memref<1x125x80xi32, #tpu.memory_space<hbm>> -> memref<125x80xi32, #tpu.memory_space<hbm>>
      %dma_wait3A_23 = arith.constant 0 : i32
      %dma_wait3A_24 = arith.constant 0 : i32
      %dma_wait3A_25 = tpu.memref_slice %arg2[%add3A, %dma_wait3A_23, %dma_wait3A_24] : memref<32x125x80xi32, #tpu.memory_space<hbm>> -> memref<1x125x80xi32, #tpu.memory_space<hbm>>
      %dma_wait3A_26 = tpu.memref_squeeze %dma_wait3A_25 : memref<1x125x80xi32, #tpu.memory_space<hbm>> -> memref<125x80xi32, #tpu.memory_space<hbm>>
      tpu.wait_dma2 semaphore(%run_scoped3A : memref<!tpu.dma_semaphore, #tpu.memory_space<semaphore_mem>>) src(%dma_wait3A_26 : memref<125x80xi32, #tpu.memory_space<hbm>>) dst(%arg6 : memref<125x80xi32, #tpu.memory_space<vmem>>)
      tpu.yield
    }) : () -> ()
    "tpu.region"() ({
      %run_scoped3A = tpu.sem_alloc : memref<!tpu.dma_semaphore, #tpu.memory_space<semaphore_mem>>
      tpu.enqueue_dma source(%arg3 : memref<80x128xf32, #tpu.memory_space<hbm>>) target(%arg7 : memref<80x128xf32, #tpu.memory_space<vmem>>) target_semaphore(%run_scoped3A : memref<!tpu.dma_semaphore, #tpu.memory_space<semaphore_mem>>)
      tpu.wait_dma2 semaphore(%run_scoped3A : memref<!tpu.dma_semaphore, #tpu.memory_space<semaphore_mem>>) src(%arg3 : memref<80x128xf32, #tpu.memory_space<hbm>>) dst(%arg7 : memref<80x128xf32, #tpu.memory_space<vmem>>)
      tpu.yield
    }) : () -> ()
    %mul3A_1 = arith.constant 640 : i32
    %mul3A_2 = arith.muli %arg1, %mul3A_1 : i32
    "tpu.region"() ({
      %run_scoped3A = tpu.sem_alloc : memref<!tpu.dma_semaphore, #tpu.memory_space<semaphore_mem>>
      %dma_start3A = arith.constant 0 : i32
      %dma_start3A_13 = tpu.memref_slice %arg8[%mul3A_2, %dma_start3A] : memref<10240x128xf32, #tpu.memory_space<vmem_shared>> -> memref<640x128xf32, #tpu.memory_space<vmem_shared>>
      tpu.enqueue_dma source(%arg4 : memref<640x128xf32, #tpu.memory_space<hbm>>) target(%dma_start3A_13 : memref<640x128xf32, #tpu.memory_space<vmem_shared>>) target_semaphore(%run_scoped3A : memref<!tpu.dma_semaphore, #tpu.memory_space<semaphore_mem>>)
      %dma_wait3A = arith.constant 0 : i32
      %dma_wait3A_14 = tpu.memref_slice %arg8[%mul3A_2, %dma_wait3A] : memref<10240x128xf32, #tpu.memory_space<vmem_shared>> -> memref<640x128xf32, #tpu.memory_space<vmem_shared>>
      tpu.wait_dma2 semaphore(%run_scoped3A : memref<!tpu.dma_semaphore, #tpu.memory_space<semaphore_mem>>) src(%arg4 : memref<640x128xf32, #tpu.memory_space<hbm>>) dst(%dma_wait3A_14 : memref<640x128xf32, #tpu.memory_space<vmem_shared>>)
      tpu.yield
    }) : () -> ()
    %barrier3A = arith.constant 0 : index
    tpu.barrier barrier_id(%barrier3A)
    %scan3A = arith.constant 0 : i32
    %scan3A_3 = arith.constant 0 : i32
    %scan3A_4 = arith.constant 125 : i32
    %scan3A_5 = arith.addi %scan3A_3, %scan3A_4 : i32
    %scan3A_6 = arith.constant 1 : i32
    scf.for %scan3A_13 = %scan3A_3 to %scan3A_5 step %scan3A_6  : i32 {
      "tpu.region"() ({
        %run_scoped3A = tpu.sem_alloc : memref<!tpu.dma_semaphore, #tpu.memory_space<semaphore_mem>>
        %dma_start3A = arith.constant 0 : i32
        %dma_start3A_14 = tpu.memref_slice %arg6[%scan3A_13, %dma_start3A] : memref<125x80xi32, #tpu.memory_space<vmem>> -> memref<1x80xi32, #tpu.memory_space<vmem>>
        %dma_start3A_15 = tpu.memref_squeeze %dma_start3A_14 : memref<1x80xi32, #tpu.memory_space<vmem>> -> memref<80xi32, #tpu.memory_space<vmem>>
        %dma_start3A_16 = arith.constant 0 : i32
        %dma_start3A_17 = arith.constant 0 : i32
        %dma_start3A_18 = tpu.memref_slice %arg8[%dma_start3A_16, %dma_start3A_17] : memref<10240x128xf32, #tpu.memory_space<vmem_shared>> -> memref<10240x128xf32, #tpu.memory_space<vmem_shared>>
        tpu.enqueue_indirect_dma source(%arg7 : memref<80x128xf32, #tpu.memory_space<vmem>>) target(%dma_start3A_18 : memref<10240x128xf32, #tpu.memory_space<vmem_shared>>) offsets(%dma_start3A_15 : memref<80xi32, #tpu.memory_space<vmem>>) semaphore(%run_scoped3A : memref<!tpu.dma_semaphore, #tpu.memory_space<semaphore_mem>>) {add = true}
        %dma_wait3A = arith.constant 0 : i32
        %dma_wait3A_19 = tpu.memref_slice %arg6[%scan3A_13, %dma_wait3A] : memref<125x80xi32, #tpu.memory_space<vmem>> -> memref<1x80xi32, #tpu.memory_space<vmem>>
        %dma_wait3A_20 = tpu.memref_squeeze %dma_wait3A_19 : memref<1x80xi32, #tpu.memory_space<vmem>> -> memref<80xi32, #tpu.memory_space<vmem>>
        %dma_wait3A_21 = arith.constant 0 : i32
        %dma_wait3A_22 = arith.constant 0 : i32
        %dma_wait3A_23 = tpu.memref_slice %arg8[%dma_wait3A_21, %dma_wait3A_22] : memref<10240x128xf32, #tpu.memory_space<vmem_shared>> -> memref<10240x128xf32, #tpu.memory_space<vmem_shared>>
        tpu.wait_indirect_dma semaphore(%run_scoped3A : memref<!tpu.dma_semaphore, #tpu.memory_space<semaphore_mem>>) src(%arg7 : memref<80x128xf32, #tpu.memory_space<vmem>>) dst(%dma_wait3A_23 : memref<10240x128xf32, #tpu.memory_space<vmem_shared>>)
        tpu.yield
      }) : () -> ()
    }
    %scan3A_7 = arith.constant 125 : i32
    %barrier3A_8 = arith.constant 0 : index
    tpu.barrier barrier_id(%barrier3A_8)
    %mul3A_9 = arith.constant 640 : i32
    %mul3A_10 = arith.muli %arg1, %mul3A_9 : i32
    %mul3A_11 = arith.constant 640 : i32
    %mul3A_12 = arith.muli %arg1, %mul3A_11 : i32
    "tpu.region"() ({
      %run_scoped3A = tpu.sem_alloc : memref<!tpu.dma_semaphore, #tpu.memory_space<semaphore_mem>>
      %dma_start3A = arith.constant 0 : i32
      %dma_start3A_13 = tpu.memref_slice %arg5[%arg0, %mul3A_12, %dma_start3A] : memref<2x10240x128xf32, #tpu.memory_space<hbm>> -> memref<1x640x128xf32, #tpu.memory_space<hbm>>
      %dma_start3A_14 = tpu.memref_squeeze %dma_start3A_13 : memref<1x640x128xf32, #tpu.memory_space<hbm>> -> memref<640x128xf32, #tpu.memory_space<hbm>>
      %dma_start3A_15 = arith.constant 0 : i32
      %dma_start3A_16 = tpu.memref_slice %arg8[%mul3A_10, %dma_start3A_15] : memref<10240x128xf32, #tpu.memory_space<vmem_shared>> -> memref<640x128xf32, #tpu.memory_space<vmem_shared>>
      tpu.enqueue_dma source(%dma_start3A_16 : memref<640x128xf32, #tpu.memory_space<vmem_shared>>) target(%dma_start3A_14 : memref<640x128xf32, #tpu.memory_space<hbm>>) target_semaphore(%run_scoped3A : memref<!tpu.dma_semaphore, #tpu.memory_space<semaphore_mem>>)
      %dma_wait3A = arith.constant 0 : i32
      %dma_wait3A_17 = tpu.memref_slice %arg5[%arg0, %mul3A_12, %dma_wait3A] : memref<2x10240x128xf32, #tpu.memory_space<hbm>> -> memref<1x640x128xf32, #tpu.memory_space<hbm>>
      %dma_wait3A_18 = tpu.memref_squeeze %dma_wait3A_17 : memref<1x640x128xf32, #tpu.memory_space<hbm>> -> memref<640x128xf32, #tpu.memory_space<hbm>>
      %dma_wait3A_19 = arith.constant 0 : i32
      %dma_wait3A_20 = tpu.memref_slice %arg8[%mul3A_10, %dma_wait3A_19] : memref<10240x128xf32, #tpu.memory_space<vmem_shared>> -> memref<640x128xf32, #tpu.memory_space<vmem_shared>>
      tpu.wait_dma2 semaphore(%run_scoped3A : memref<!tpu.dma_semaphore, #tpu.memory_space<semaphore_mem>>) src(%dma_wait3A_20 : memref<640x128xf32, #tpu.memory_space<vmem_shared>>) dst(%dma_wait3A_18 : memref<640x128xf32, #tpu.memory_space<hbm>>)
      tpu.yield
    }) : () -> ()
    return
  }
}

#map = affine_map<(d0, d1) -> (0, 0)>
#map1 = affine_map<(d0, d1) -> (0, 0, 0)>
module attributes {stable_mosaic.version = 14 : i64} {
  func.func @_sc_aggregate(%arg0: i32, %arg1: i32, %arg2: memref<10000x128xf32, #tpu.memory_space<hbm>>, %arg3: memref<32x125x80xi32, #tpu.memory_space<hbm>>, %arg4: memref<32x125x80xi32, #tpu.memory_space<hbm>>, %arg5: memref<640x128xf32, #tpu.memory_space<hbm>>, %arg6: memref<2x10240x128xf32, #tpu.memory_space<hbm>>, %arg7: memref<125x80xi32, #tpu.memory_space<vmem>>, %arg8: memref<125x80xi32, #tpu.memory_space<vmem>>, %arg9: memref<80x128xf32, #tpu.memory_space<vmem>>, %arg10: memref<10240x128xf32, #tpu.memory_space<vmem_shared>>, %arg11: memref<!tpu.dma_semaphore, #tpu.memory_space<semaphore_mem>>) attributes {dimension_semantics = [#tpu.dimension_semantics<core_parallel>, #tpu.dimension_semantics<subcore_parallel>], iteration_bounds = array<i64: 2, 16>, scalar_prefetch = 0 : i64, scratch_operands = 5 : i64, tpu.core_type = #tpu.core_type<sc_vector_subcore>, window_params = [{transform_indices = #map}, {transform_indices = #map1}, {transform_indices = #map1}, {transform_indices = #map}, {transform_indices = #map1}]} {
    %mul3A = arith.constant 2 : i32
    %mul3A_0 = arith.muli %arg1, %mul3A : i32
    %add3A = arith.addi %mul3A_0, %arg0 : i32
    "tpu.region"() ({
      %run_scoped3A = tpu.sem_alloc : memref<!tpu.dma_semaphore, #tpu.memory_space<semaphore_mem>>
      %dma_start3A = arith.constant 0 : i32
      %dma_start3A_13 = arith.constant 0 : i32
      %dma_start3A_14 = tpu.memref_slice %arg3[%add3A, %dma_start3A, %dma_start3A_13] : memref<32x125x80xi32, #tpu.memory_space<hbm>> -> memref<1x125x80xi32, #tpu.memory_space<hbm>>
      %dma_start3A_15 = tpu.memref_squeeze %dma_start3A_14 : memref<1x125x80xi32, #tpu.memory_space<hbm>> -> memref<125x80xi32, #tpu.memory_space<hbm>>
      %dma_start3A_16 = arith.constant 0 : i32
      %dma_start3A_17 = arith.constant 0 : i32
      %dma_start3A_18 = tpu.memref_slice %arg3[%add3A, %dma_start3A_16, %dma_start3A_17] : memref<32x125x80xi32, #tpu.memory_space<hbm>> -> memref<1x125x80xi32, #tpu.memory_space<hbm>>
      %dma_start3A_19 = tpu.memref_squeeze %dma_start3A_18 : memref<1x125x80xi32, #tpu.memory_space<hbm>> -> memref<125x80xi32, #tpu.memory_space<hbm>>
      tpu.enqueue_dma source(%dma_start3A_19 : memref<125x80xi32, #tpu.memory_space<hbm>>) target(%arg7 : memref<125x80xi32, #tpu.memory_space<vmem>>) target_semaphore(%run_scoped3A : memref<!tpu.dma_semaphore, #tpu.memory_space<semaphore_mem>>)
      %dma_wait3A = arith.constant 0 : i32
      %dma_wait3A_20 = arith.constant 0 : i32
      %dma_wait3A_21 = tpu.memref_slice %arg3[%add3A, %dma_wait3A, %dma_wait3A_20] : memref<32x125x80xi32, #tpu.memory_space<hbm>> -> memref<1x125x80xi32, #tpu.memory_space<hbm>>
      %dma_wait3A_22 = tpu.memref_squeeze %dma_wait3A_21 : memref<1x125x80xi32, #tpu.memory_space<hbm>> -> memref<125x80xi32, #tpu.memory_space<hbm>>
      %dma_wait3A_23 = arith.constant 0 : i32
      %dma_wait3A_24 = arith.constant 0 : i32
      %dma_wait3A_25 = tpu.memref_slice %arg3[%add3A, %dma_wait3A_23, %dma_wait3A_24] : memref<32x125x80xi32, #tpu.memory_space<hbm>> -> memref<1x125x80xi32, #tpu.memory_space<hbm>>
      %dma_wait3A_26 = tpu.memref_squeeze %dma_wait3A_25 : memref<1x125x80xi32, #tpu.memory_space<hbm>> -> memref<125x80xi32, #tpu.memory_space<hbm>>
      tpu.wait_dma2 semaphore(%run_scoped3A : memref<!tpu.dma_semaphore, #tpu.memory_space<semaphore_mem>>) src(%dma_wait3A_26 : memref<125x80xi32, #tpu.memory_space<hbm>>) dst(%arg7 : memref<125x80xi32, #tpu.memory_space<vmem>>)
      tpu.yield
    }) : () -> ()
    "tpu.region"() ({
      %run_scoped3A = tpu.sem_alloc : memref<!tpu.dma_semaphore, #tpu.memory_space<semaphore_mem>>
      %dma_start3A = arith.constant 0 : i32
      %dma_start3A_13 = arith.constant 0 : i32
      %dma_start3A_14 = tpu.memref_slice %arg4[%add3A, %dma_start3A, %dma_start3A_13] : memref<32x125x80xi32, #tpu.memory_space<hbm>> -> memref<1x125x80xi32, #tpu.memory_space<hbm>>
      %dma_start3A_15 = tpu.memref_squeeze %dma_start3A_14 : memref<1x125x80xi32, #tpu.memory_space<hbm>> -> memref<125x80xi32, #tpu.memory_space<hbm>>
      %dma_start3A_16 = arith.constant 0 : i32
      %dma_start3A_17 = arith.constant 0 : i32
      %dma_start3A_18 = tpu.memref_slice %arg4[%add3A, %dma_start3A_16, %dma_start3A_17] : memref<32x125x80xi32, #tpu.memory_space<hbm>> -> memref<1x125x80xi32, #tpu.memory_space<hbm>>
      %dma_start3A_19 = tpu.memref_squeeze %dma_start3A_18 : memref<1x125x80xi32, #tpu.memory_space<hbm>> -> memref<125x80xi32, #tpu.memory_space<hbm>>
      tpu.enqueue_dma source(%dma_start3A_19 : memref<125x80xi32, #tpu.memory_space<hbm>>) target(%arg8 : memref<125x80xi32, #tpu.memory_space<vmem>>) target_semaphore(%run_scoped3A : memref<!tpu.dma_semaphore, #tpu.memory_space<semaphore_mem>>)
      %dma_wait3A = arith.constant 0 : i32
      %dma_wait3A_20 = arith.constant 0 : i32
      %dma_wait3A_21 = tpu.memref_slice %arg4[%add3A, %dma_wait3A, %dma_wait3A_20] : memref<32x125x80xi32, #tpu.memory_space<hbm>> -> memref<1x125x80xi32, #tpu.memory_space<hbm>>
      %dma_wait3A_22 = tpu.memref_squeeze %dma_wait3A_21 : memref<1x125x80xi32, #tpu.memory_space<hbm>> -> memref<125x80xi32, #tpu.memory_space<hbm>>
      %dma_wait3A_23 = arith.constant 0 : i32
      %dma_wait3A_24 = arith.constant 0 : i32
      %dma_wait3A_25 = tpu.memref_slice %arg4[%add3A, %dma_wait3A_23, %dma_wait3A_24] : memref<32x125x80xi32, #tpu.memory_space<hbm>> -> memref<1x125x80xi32, #tpu.memory_space<hbm>>
      %dma_wait3A_26 = tpu.memref_squeeze %dma_wait3A_25 : memref<1x125x80xi32, #tpu.memory_space<hbm>> -> memref<125x80xi32, #tpu.memory_space<hbm>>
      tpu.wait_dma2 semaphore(%run_scoped3A : memref<!tpu.dma_semaphore, #tpu.memory_space<semaphore_mem>>) src(%dma_wait3A_26 : memref<125x80xi32, #tpu.memory_space<hbm>>) dst(%arg8 : memref<125x80xi32, #tpu.memory_space<vmem>>)
      tpu.yield
    }) : () -> ()
    %mul3A_1 = arith.constant 640 : i32
    %mul3A_2 = arith.muli %arg1, %mul3A_1 : i32
    "tpu.region"() ({
      %run_scoped3A = tpu.sem_alloc : memref<!tpu.dma_semaphore, #tpu.memory_space<semaphore_mem>>
      %dma_start3A = arith.constant 0 : i32
      %dma_start3A_13 = tpu.memref_slice %arg10[%mul3A_2, %dma_start3A] : memref<10240x128xf32, #tpu.memory_space<vmem_shared>> -> memref<640x128xf32, #tpu.memory_space<vmem_shared>>
      tpu.enqueue_dma source(%arg5 : memref<640x128xf32, #tpu.memory_space<hbm>>) target(%dma_start3A_13 : memref<640x128xf32, #tpu.memory_space<vmem_shared>>) target_semaphore(%run_scoped3A : memref<!tpu.dma_semaphore, #tpu.memory_space<semaphore_mem>>)
      %dma_wait3A = arith.constant 0 : i32
      %dma_wait3A_14 = tpu.memref_slice %arg10[%mul3A_2, %dma_wait3A] : memref<10240x128xf32, #tpu.memory_space<vmem_shared>> -> memref<640x128xf32, #tpu.memory_space<vmem_shared>>
      tpu.wait_dma2 semaphore(%run_scoped3A : memref<!tpu.dma_semaphore, #tpu.memory_space<semaphore_mem>>) src(%arg5 : memref<640x128xf32, #tpu.memory_space<hbm>>) dst(%dma_wait3A_14 : memref<640x128xf32, #tpu.memory_space<vmem_shared>>)
      tpu.yield
    }) : () -> ()
    %barrier3A = arith.constant 0 : index
    tpu.barrier barrier_id(%barrier3A)
    %scan3A = arith.constant 0 : i32
    %scan3A_3 = arith.constant 0 : i32
    %scan3A_4 = arith.constant 125 : i32
    %scan3A_5 = arith.addi %scan3A_3, %scan3A_4 : i32
    %scan3A_6 = arith.constant 1 : i32
    scf.for %scan3A_13 = %scan3A_3 to %scan3A_5 step %scan3A_6  : i32 {
      %dma_start3A = arith.constant 0 : i32
      %dma_start3A_14 = tpu.memref_slice %arg7[%scan3A_13, %dma_start3A] : memref<125x80xi32, #tpu.memory_space<vmem>> -> memref<1x80xi32, #tpu.memory_space<vmem>>
      %dma_start3A_15 = tpu.memref_squeeze %dma_start3A_14 : memref<1x80xi32, #tpu.memory_space<vmem>> -> memref<80xi32, #tpu.memory_space<vmem>>
      %dma_start3A_16 = arith.constant 0 : i32
      %dma_start3A_17 = arith.constant 0 : i32
      %dma_start3A_18 = tpu.memref_slice %arg2[%dma_start3A_16, %dma_start3A_17] : memref<10000x128xf32, #tpu.memory_space<hbm>> -> memref<10000x128xf32, #tpu.memory_space<hbm>>
      tpu.enqueue_indirect_dma source(%dma_start3A_18 : memref<10000x128xf32, #tpu.memory_space<hbm>>) target(%arg9 : memref<80x128xf32, #tpu.memory_space<vmem>>) offsets(%dma_start3A_15 : memref<80xi32, #tpu.memory_space<vmem>>) semaphore(%arg11 : memref<!tpu.dma_semaphore, #tpu.memory_space<semaphore_mem>>)
      %dma_wait3A = arith.constant 0 : i32
      %dma_wait3A_19 = tpu.memref_slice %arg7[%scan3A_13, %dma_wait3A] : memref<125x80xi32, #tpu.memory_space<vmem>> -> memref<1x80xi32, #tpu.memory_space<vmem>>
      %dma_wait3A_20 = tpu.memref_squeeze %dma_wait3A_19 : memref<1x80xi32, #tpu.memory_space<vmem>> -> memref<80xi32, #tpu.memory_space<vmem>>
      %dma_wait3A_21 = arith.constant 0 : i32
      %dma_wait3A_22 = arith.constant 0 : i32
      %dma_wait3A_23 = tpu.memref_slice %arg2[%dma_wait3A_21, %dma_wait3A_22] : memref<10000x128xf32, #tpu.memory_space<hbm>> -> memref<10000x128xf32, #tpu.memory_space<hbm>>
      tpu.wait_indirect_dma semaphore(%arg11 : memref<!tpu.dma_semaphore, #tpu.memory_space<semaphore_mem>>) src(%dma_wait3A_23 : memref<10000x128xf32, #tpu.memory_space<hbm>>) dst(%arg9 : memref<80x128xf32, #tpu.memory_space<vmem>>)
      "tpu.region"() ({
        %run_scoped3A = tpu.sem_alloc : memref<!tpu.dma_semaphore, #tpu.memory_space<semaphore_mem>>
        %dma_start3A_24 = arith.constant 0 : i32
        %dma_start3A_25 = tpu.memref_slice %arg8[%scan3A_13, %dma_start3A_24] : memref<125x80xi32, #tpu.memory_space<vmem>> -> memref<1x80xi32, #tpu.memory_space<vmem>>
        %dma_start3A_26 = tpu.memref_squeeze %dma_start3A_25 : memref<1x80xi32, #tpu.memory_space<vmem>> -> memref<80xi32, #tpu.memory_space<vmem>>
        %dma_start3A_27 = arith.constant 0 : i32
        %dma_start3A_28 = arith.constant 0 : i32
        %dma_start3A_29 = tpu.memref_slice %arg10[%dma_start3A_27, %dma_start3A_28] : memref<10240x128xf32, #tpu.memory_space<vmem_shared>> -> memref<10240x128xf32, #tpu.memory_space<vmem_shared>>
        tpu.enqueue_indirect_dma source(%arg9 : memref<80x128xf32, #tpu.memory_space<vmem>>) target(%dma_start3A_29 : memref<10240x128xf32, #tpu.memory_space<vmem_shared>>) offsets(%dma_start3A_26 : memref<80xi32, #tpu.memory_space<vmem>>) semaphore(%run_scoped3A : memref<!tpu.dma_semaphore, #tpu.memory_space<semaphore_mem>>) {add = true}
        %dma_wait3A_30 = arith.constant 0 : i32
        %dma_wait3A_31 = tpu.memref_slice %arg8[%scan3A_13, %dma_wait3A_30] : memref<125x80xi32, #tpu.memory_space<vmem>> -> memref<1x80xi32, #tpu.memory_space<vmem>>
        %dma_wait3A_32 = tpu.memref_squeeze %dma_wait3A_31 : memref<1x80xi32, #tpu.memory_space<vmem>> -> memref<80xi32, #tpu.memory_space<vmem>>
        %dma_wait3A_33 = arith.constant 0 : i32
        %dma_wait3A_34 = arith.constant 0 : i32
        %dma_wait3A_35 = tpu.memref_slice %arg10[%dma_wait3A_33, %dma_wait3A_34] : memref<10240x128xf32, #tpu.memory_space<vmem_shared>> -> memref<10240x128xf32, #tpu.memory_space<vmem_shared>>
        tpu.wait_indirect_dma semaphore(%run_scoped3A : memref<!tpu.dma_semaphore, #tpu.memory_space<semaphore_mem>>) src(%arg9 : memref<80x128xf32, #tpu.memory_space<vmem>>) dst(%dma_wait3A_35 : memref<10240x128xf32, #tpu.memory_space<vmem_shared>>)
        tpu.yield
      }) : () -> ()
    }
    %scan3A_7 = arith.constant 125 : i32
    %barrier3A_8 = arith.constant 0 : index
    tpu.barrier barrier_id(%barrier3A_8)
    %mul3A_9 = arith.constant 640 : i32
    %mul3A_10 = arith.muli %arg1, %mul3A_9 : i32
    %mul3A_11 = arith.constant 640 : i32
    %mul3A_12 = arith.muli %arg1, %mul3A_11 : i32
    "tpu.region"() ({
      %run_scoped3A = tpu.sem_alloc : memref<!tpu.dma_semaphore, #tpu.memory_space<semaphore_mem>>
      %dma_start3A = arith.constant 0 : i32
      %dma_start3A_13 = tpu.memref_slice %arg6[%arg0, %mul3A_12, %dma_start3A] : memref<2x10240x128xf32, #tpu.memory_space<hbm>> -> memref<1x640x128xf32, #tpu.memory_space<hbm>>
      %dma_start3A_14 = tpu.memref_squeeze %dma_start3A_13 : memref<1x640x128xf32, #tpu.memory_space<hbm>> -> memref<640x128xf32, #tpu.memory_space<hbm>>
      %dma_start3A_15 = arith.constant 0 : i32
      %dma_start3A_16 = tpu.memref_slice %arg10[%mul3A_10, %dma_start3A_15] : memref<10240x128xf32, #tpu.memory_space<vmem_shared>> -> memref<640x128xf32, #tpu.memory_space<vmem_shared>>
      tpu.enqueue_dma source(%dma_start3A_16 : memref<640x128xf32, #tpu.memory_space<vmem_shared>>) target(%dma_start3A_14 : memref<640x128xf32, #tpu.memory_space<hbm>>) target_semaphore(%run_scoped3A : memref<!tpu.dma_semaphore, #tpu.memory_space<semaphore_mem>>)
      %dma_wait3A = arith.constant 0 : i32
      %dma_wait3A_17 = tpu.memref_slice %arg6[%arg0, %mul3A_12, %dma_wait3A] : memref<2x10240x128xf32, #tpu.memory_space<hbm>> -> memref<1x640x128xf32, #tpu.memory_space<hbm>>
      %dma_wait3A_18 = tpu.memref_squeeze %dma_wait3A_17 : memref<1x640x128xf32, #tpu.memory_space<hbm>> -> memref<640x128xf32, #tpu.memory_space<hbm>>
      %dma_wait3A_19 = arith.constant 0 : i32
      %dma_wait3A_20 = tpu.memref_slice %arg10[%mul3A_10, %dma_wait3A_19] : memref<10240x128xf32, #tpu.memory_space<vmem_shared>> -> memref<640x128xf32, #tpu.memory_space<vmem_shared>>
      tpu.wait_dma2 semaphore(%run_scoped3A : memref<!tpu.dma_semaphore, #tpu.memory_space<semaphore_mem>>) src(%dma_wait3A_20 : memref<640x128xf32, #tpu.memory_space<vmem_shared>>) dst(%dma_wait3A_18 : memref<640x128xf32, #tpu.memory_space<hbm>>)
      tpu.yield
    }) : () -> ()
    return
  }
}

#map = affine_map<(d0, d1) -> (0, 0)>
#map1 = affine_map<(d0, d1) -> (0, 0, 0)>
module attributes {stable_mosaic.version = 14 : i64} {
  func.func @_sc_aggregate(%arg0: i32, %arg1: i32, %arg2: memref<10000x128xf32, #tpu.memory_space<hbm>>, %arg3: memref<32x125x80xi32, #tpu.memory_space<hbm>>, %arg4: memref<32x125x80xi32, #tpu.memory_space<hbm>>, %arg5: memref<640x128xf32, #tpu.memory_space<hbm>>, %arg6: memref<2x10240x128xf32, #tpu.memory_space<hbm>>, %arg7: memref<125x80xi32, #tpu.memory_space<vmem>>, %arg8: memref<125x80xi32, #tpu.memory_space<vmem>>, %arg9: memref<80x128xf32, #tpu.memory_space<vmem>>, %arg10: memref<10240x128xf32, #tpu.memory_space<vmem_shared>>, %arg11: memref<!tpu.dma_semaphore, #tpu.memory_space<semaphore_mem>>) attributes {dimension_semantics = [#tpu.dimension_semantics<core_parallel>, #tpu.dimension_semantics<subcore_parallel>], iteration_bounds = array<i64: 2, 16>, scalar_prefetch = 0 : i64, scratch_operands = 5 : i64, tpu.core_type = #tpu.core_type<sc_vector_subcore>, window_params = [{transform_indices = #map}, {transform_indices = #map1}, {transform_indices = #map1}, {transform_indices = #map}, {transform_indices = #map1}]} {
    %mul3A = arith.constant 2 : i32
    %mul3A_0 = arith.muli %arg1, %mul3A : i32
    %add3A = arith.addi %mul3A_0, %arg0 : i32
    "tpu.region"() ({
      %run_scoped3A = tpu.sem_alloc : memref<!tpu.dma_semaphore, #tpu.memory_space<semaphore_mem>>
      %dma_start3A = arith.constant 0 : i32
      %dma_start3A_13 = arith.constant 0 : i32
      %dma_start3A_14 = tpu.memref_slice %arg3[%add3A, %dma_start3A, %dma_start3A_13] : memref<32x125x80xi32, #tpu.memory_space<hbm>> -> memref<1x125x80xi32, #tpu.memory_space<hbm>>
      %dma_start3A_15 = tpu.memref_squeeze %dma_start3A_14 : memref<1x125x80xi32, #tpu.memory_space<hbm>> -> memref<125x80xi32, #tpu.memory_space<hbm>>
      %dma_start3A_16 = arith.constant 0 : i32
      %dma_start3A_17 = arith.constant 0 : i32
      %dma_start3A_18 = tpu.memref_slice %arg3[%add3A, %dma_start3A_16, %dma_start3A_17] : memref<32x125x80xi32, #tpu.memory_space<hbm>> -> memref<1x125x80xi32, #tpu.memory_space<hbm>>
      %dma_start3A_19 = tpu.memref_squeeze %dma_start3A_18 : memref<1x125x80xi32, #tpu.memory_space<hbm>> -> memref<125x80xi32, #tpu.memory_space<hbm>>
      tpu.enqueue_dma source(%dma_start3A_19 : memref<125x80xi32, #tpu.memory_space<hbm>>) target(%arg7 : memref<125x80xi32, #tpu.memory_space<vmem>>) target_semaphore(%run_scoped3A : memref<!tpu.dma_semaphore, #tpu.memory_space<semaphore_mem>>)
      %dma_wait3A = arith.constant 0 : i32
      %dma_wait3A_20 = arith.constant 0 : i32
      %dma_wait3A_21 = tpu.memref_slice %arg3[%add3A, %dma_wait3A, %dma_wait3A_20] : memref<32x125x80xi32, #tpu.memory_space<hbm>> -> memref<1x125x80xi32, #tpu.memory_space<hbm>>
      %dma_wait3A_22 = tpu.memref_squeeze %dma_wait3A_21 : memref<1x125x80xi32, #tpu.memory_space<hbm>> -> memref<125x80xi32, #tpu.memory_space<hbm>>
      %dma_wait3A_23 = arith.constant 0 : i32
      %dma_wait3A_24 = arith.constant 0 : i32
      %dma_wait3A_25 = tpu.memref_slice %arg3[%add3A, %dma_wait3A_23, %dma_wait3A_24] : memref<32x125x80xi32, #tpu.memory_space<hbm>> -> memref<1x125x80xi32, #tpu.memory_space<hbm>>
      %dma_wait3A_26 = tpu.memref_squeeze %dma_wait3A_25 : memref<1x125x80xi32, #tpu.memory_space<hbm>> -> memref<125x80xi32, #tpu.memory_space<hbm>>
      tpu.wait_dma2 semaphore(%run_scoped3A : memref<!tpu.dma_semaphore, #tpu.memory_space<semaphore_mem>>) src(%dma_wait3A_26 : memref<125x80xi32, #tpu.memory_space<hbm>>) dst(%arg7 : memref<125x80xi32, #tpu.memory_space<vmem>>)
      tpu.yield
    }) : () -> ()
    "tpu.region"() ({
      %run_scoped3A = tpu.sem_alloc : memref<!tpu.dma_semaphore, #tpu.memory_space<semaphore_mem>>
      %dma_start3A = arith.constant 0 : i32
      %dma_start3A_13 = arith.constant 0 : i32
      %dma_start3A_14 = tpu.memref_slice %arg4[%add3A, %dma_start3A, %dma_start3A_13] : memref<32x125x80xi32, #tpu.memory_space<hbm>> -> memref<1x125x80xi32, #tpu.memory_space<hbm>>
      %dma_start3A_15 = tpu.memref_squeeze %dma_start3A_14 : memref<1x125x80xi32, #tpu.memory_space<hbm>> -> memref<125x80xi32, #tpu.memory_space<hbm>>
      %dma_start3A_16 = arith.constant 0 : i32
      %dma_start3A_17 = arith.constant 0 : i32
      %dma_start3A_18 = tpu.memref_slice %arg4[%add3A, %dma_start3A_16, %dma_start3A_17] : memref<32x125x80xi32, #tpu.memory_space<hbm>> -> memref<1x125x80xi32, #tpu.memory_space<hbm>>
      %dma_start3A_19 = tpu.memref_squeeze %dma_start3A_18 : memref<1x125x80xi32, #tpu.memory_space<hbm>> -> memref<125x80xi32, #tpu.memory_space<hbm>>
      tpu.enqueue_dma source(%dma_start3A_19 : memref<125x80xi32, #tpu.memory_space<hbm>>) target(%arg8 : memref<125x80xi32, #tpu.memory_space<vmem>>) target_semaphore(%run_scoped3A : memref<!tpu.dma_semaphore, #tpu.memory_space<semaphore_mem>>)
      %dma_wait3A = arith.constant 0 : i32
      %dma_wait3A_20 = arith.constant 0 : i32
      %dma_wait3A_21 = tpu.memref_slice %arg4[%add3A, %dma_wait3A, %dma_wait3A_20] : memref<32x125x80xi32, #tpu.memory_space<hbm>> -> memref<1x125x80xi32, #tpu.memory_space<hbm>>
      %dma_wait3A_22 = tpu.memref_squeeze %dma_wait3A_21 : memref<1x125x80xi32, #tpu.memory_space<hbm>> -> memref<125x80xi32, #tpu.memory_space<hbm>>
      %dma_wait3A_23 = arith.constant 0 : i32
      %dma_wait3A_24 = arith.constant 0 : i32
      %dma_wait3A_25 = tpu.memref_slice %arg4[%add3A, %dma_wait3A_23, %dma_wait3A_24] : memref<32x125x80xi32, #tpu.memory_space<hbm>> -> memref<1x125x80xi32, #tpu.memory_space<hbm>>
      %dma_wait3A_26 = tpu.memref_squeeze %dma_wait3A_25 : memref<1x125x80xi32, #tpu.memory_space<hbm>> -> memref<125x80xi32, #tpu.memory_space<hbm>>
      tpu.wait_dma2 semaphore(%run_scoped3A : memref<!tpu.dma_semaphore, #tpu.memory_space<semaphore_mem>>) src(%dma_wait3A_26 : memref<125x80xi32, #tpu.memory_space<hbm>>) dst(%arg8 : memref<125x80xi32, #tpu.memory_space<vmem>>)
      tpu.yield
    }) : () -> ()
    %mul3A_1 = arith.constant 640 : i32
    %mul3A_2 = arith.muli %arg1, %mul3A_1 : i32
    "tpu.region"() ({
      %run_scoped3A = tpu.sem_alloc : memref<!tpu.dma_semaphore, #tpu.memory_space<semaphore_mem>>
      %dma_start3A = arith.constant 0 : i32
      %dma_start3A_13 = tpu.memref_slice %arg10[%mul3A_2, %dma_start3A] : memref<10240x128xf32, #tpu.memory_space<vmem_shared>> -> memref<640x128xf32, #tpu.memory_space<vmem_shared>>
      tpu.enqueue_dma source(%arg5 : memref<640x128xf32, #tpu.memory_space<hbm>>) target(%dma_start3A_13 : memref<640x128xf32, #tpu.memory_space<vmem_shared>>) target_semaphore(%run_scoped3A : memref<!tpu.dma_semaphore, #tpu.memory_space<semaphore_mem>>)
      %dma_wait3A = arith.constant 0 : i32
      %dma_wait3A_14 = tpu.memref_slice %arg10[%mul3A_2, %dma_wait3A] : memref<10240x128xf32, #tpu.memory_space<vmem_shared>> -> memref<640x128xf32, #tpu.memory_space<vmem_shared>>
      tpu.wait_dma2 semaphore(%run_scoped3A : memref<!tpu.dma_semaphore, #tpu.memory_space<semaphore_mem>>) src(%arg5 : memref<640x128xf32, #tpu.memory_space<hbm>>) dst(%dma_wait3A_14 : memref<640x128xf32, #tpu.memory_space<vmem_shared>>)
      tpu.yield
    }) : () -> ()
    %barrier3A = arith.constant 0 : index
    tpu.barrier barrier_id(%barrier3A)
    %scan3A = arith.constant 0 : i32
    %scan3A_3 = arith.constant 0 : i32
    %scan3A_4 = arith.constant 125 : i32
    %scan3A_5 = arith.addi %scan3A_3, %scan3A_4 : i32
    %scan3A_6 = arith.constant 1 : i32
    scf.for %scan3A_13 = %scan3A_3 to %scan3A_5 step %scan3A_6  : i32 {
      %dma_start3A = arith.constant 0 : i32
      %dma_start3A_14 = tpu.memref_slice %arg7[%scan3A_13, %dma_start3A] : memref<125x80xi32, #tpu.memory_space<vmem>> -> memref<1x80xi32, #tpu.memory_space<vmem>>
      %dma_start3A_15 = tpu.memref_squeeze %dma_start3A_14 : memref<1x80xi32, #tpu.memory_space<vmem>> -> memref<80xi32, #tpu.memory_space<vmem>>
      %dma_start3A_16 = arith.constant 0 : i32
      %dma_start3A_17 = arith.constant 0 : i32
      %dma_start3A_18 = tpu.memref_slice %arg2[%dma_start3A_16, %dma_start3A_17] : memref<10000x128xf32, #tpu.memory_space<hbm>> -> memref<10000x128xf32, #tpu.memory_space<hbm>>
      tpu.enqueue_indirect_dma source(%dma_start3A_18 : memref<10000x128xf32, #tpu.memory_space<hbm>>) target(%arg9 : memref<80x128xf32, #tpu.memory_space<vmem>>) offsets(%dma_start3A_15 : memref<80xi32, #tpu.memory_space<vmem>>) semaphore(%arg11 : memref<!tpu.dma_semaphore, #tpu.memory_space<semaphore_mem>>)
      %dma_wait3A = arith.constant 0 : i32
      %dma_wait3A_19 = tpu.memref_slice %arg7[%scan3A_13, %dma_wait3A] : memref<125x80xi32, #tpu.memory_space<vmem>> -> memref<1x80xi32, #tpu.memory_space<vmem>>
      %dma_wait3A_20 = tpu.memref_squeeze %dma_wait3A_19 : memref<1x80xi32, #tpu.memory_space<vmem>> -> memref<80xi32, #tpu.memory_space<vmem>>
      %dma_wait3A_21 = arith.constant 0 : i32
      %dma_wait3A_22 = arith.constant 0 : i32
      %dma_wait3A_23 = tpu.memref_slice %arg2[%dma_wait3A_21, %dma_wait3A_22] : memref<10000x128xf32, #tpu.memory_space<hbm>> -> memref<10000x128xf32, #tpu.memory_space<hbm>>
      tpu.wait_indirect_dma semaphore(%arg11 : memref<!tpu.dma_semaphore, #tpu.memory_space<semaphore_mem>>) src(%dma_wait3A_23 : memref<10000x128xf32, #tpu.memory_space<hbm>>) dst(%arg9 : memref<80x128xf32, #tpu.memory_space<vmem>>)
      "tpu.region"() ({
        %run_scoped3A = tpu.sem_alloc : memref<!tpu.dma_semaphore, #tpu.memory_space<semaphore_mem>>
        %dma_start3A_24 = arith.constant 0 : i32
        %dma_start3A_25 = tpu.memref_slice %arg8[%scan3A_13, %dma_start3A_24] : memref<125x80xi32, #tpu.memory_space<vmem>> -> memref<1x80xi32, #tpu.memory_space<vmem>>
        %dma_start3A_26 = tpu.memref_squeeze %dma_start3A_25 : memref<1x80xi32, #tpu.memory_space<vmem>> -> memref<80xi32, #tpu.memory_space<vmem>>
        %dma_start3A_27 = arith.constant 0 : i32
        %dma_start3A_28 = arith.constant 0 : i32
        %dma_start3A_29 = tpu.memref_slice %arg10[%dma_start3A_27, %dma_start3A_28] : memref<10240x128xf32, #tpu.memory_space<vmem_shared>> -> memref<10240x128xf32, #tpu.memory_space<vmem_shared>>
        tpu.enqueue_indirect_dma source(%arg9 : memref<80x128xf32, #tpu.memory_space<vmem>>) target(%dma_start3A_29 : memref<10240x128xf32, #tpu.memory_space<vmem_shared>>) offsets(%dma_start3A_26 : memref<80xi32, #tpu.memory_space<vmem>>) semaphore(%run_scoped3A : memref<!tpu.dma_semaphore, #tpu.memory_space<semaphore_mem>>) {add = true}
        %dma_wait3A_30 = arith.constant 0 : i32
        %dma_wait3A_31 = tpu.memref_slice %arg8[%scan3A_13, %dma_wait3A_30] : memref<125x80xi32, #tpu.memory_space<vmem>> -> memref<1x80xi32, #tpu.memory_space<vmem>>
        %dma_wait3A_32 = tpu.memref_squeeze %dma_wait3A_31 : memref<1x80xi32, #tpu.memory_space<vmem>> -> memref<80xi32, #tpu.memory_space<vmem>>
        %dma_wait3A_33 = arith.constant 0 : i32
        %dma_wait3A_34 = arith.constant 0 : i32
        %dma_wait3A_35 = tpu.memref_slice %arg10[%dma_wait3A_33, %dma_wait3A_34] : memref<10240x128xf32, #tpu.memory_space<vmem_shared>> -> memref<10240x128xf32, #tpu.memory_space<vmem_shared>>
        tpu.wait_indirect_dma semaphore(%run_scoped3A : memref<!tpu.dma_semaphore, #tpu.memory_space<semaphore_mem>>) src(%arg9 : memref<80x128xf32, #tpu.memory_space<vmem>>) dst(%dma_wait3A_35 : memref<10240x128xf32, #tpu.memory_space<vmem_shared>>)
        tpu.yield
      }) : () -> ()
    }
    %scan3A_7 = arith.constant 125 : i32
    %barrier3A_8 = arith.constant 0 : index
    tpu.barrier barrier_id(%barrier3A_8)
    %mul3A_9 = arith.constant 640 : i32
    %mul3A_10 = arith.muli %arg1, %mul3A_9 : i32
    %mul3A_11 = arith.constant 640 : i32
    %mul3A_12 = arith.muli %arg1, %mul3A_11 : i32
    "tpu.region"() ({
      %run_scoped3A = tpu.sem_alloc : memref<!tpu.dma_semaphore, #tpu.memory_space<semaphore_mem>>
      %dma_start3A = arith.constant 0 : i32
      %dma_start3A_13 = tpu.memref_slice %arg6[%arg0, %mul3A_12, %dma_start3A] : memref<2x10240x128xf32, #tpu.memory_space<hbm>> -> memref<1x640x128xf32, #tpu.memory_space<hbm>>
      %dma_start3A_14 = tpu.memref_squeeze %dma_start3A_13 : memref<1x640x128xf32, #tpu.memory_space<hbm>> -> memref<640x128xf32, #tpu.memory_space<hbm>>
      %dma_start3A_15 = arith.constant 0 : i32
      %dma_start3A_16 = tpu.memref_slice %arg10[%mul3A_10, %dma_start3A_15] : memref<10240x128xf32, #tpu.memory_space<vmem_shared>> -> memref<640x128xf32, #tpu.memory_space<vmem_shared>>
      tpu.enqueue_dma source(%dma_start3A_16 : memref<640x128xf32, #tpu.memory_space<vmem_shared>>) target(%dma_start3A_14 : memref<640x128xf32, #tpu.memory_space<hbm>>) target_semaphore(%run_scoped3A : memref<!tpu.dma_semaphore, #tpu.memory_space<semaphore_mem>>)
      %dma_wait3A = arith.constant 0 : i32
      %dma_wait3A_17 = tpu.memref_slice %arg6[%arg0, %mul3A_12, %dma_wait3A] : memref<2x10240x128xf32, #tpu.memory_space<hbm>> -> memref<1x640x128xf32, #tpu.memory_space<hbm>>
      %dma_wait3A_18 = tpu.memref_squeeze %dma_wait3A_17 : memref<1x640x128xf32, #tpu.memory_space<hbm>> -> memref<640x128xf32, #tpu.memory_space<hbm>>
      %dma_wait3A_19 = arith.constant 0 : i32
      %dma_wait3A_20 = tpu.memref_slice %arg10[%mul3A_10, %dma_wait3A_19] : memref<10240x128xf32, #tpu.memory_space<vmem_shared>> -> memref<640x128xf32, #tpu.memory_space<vmem_shared>>
      tpu.wait_dma2 semaphore(%run_scoped3A : memref<!tpu.dma_semaphore, #tpu.memory_space<semaphore_mem>>) src(%dma_wait3A_20 : memref<640x128xf32, #tpu.memory_space<vmem_shared>>) dst(%dma_wait3A_18 : memref<640x128xf32, #tpu.memory_space<hbm>>)
      tpu.yield
    }) : () -> ()
    return
  }
}

module attributes {stable_mosaic.version = 14 : i64} {
  func.func @body(%arg0: memref<10000x128xf32, #tpu.memory_space<vmem>>, %arg1: memref<10000x2xf32, #tpu.memory_space<vmem>>, %arg2: memref<10000x128xf32, #tpu.memory_space<vmem>>, %arg3: memref<10000x1xf32, #tpu.memory_space<vmem>>) attributes {dimension_semantics = [], scalar_prefetch = 0 : i64, scratch_operands = 0 : i64, tpu.core_type = #tpu.core_type<tc>} {
    %get3A = arith.constant 0 : index
    %get3A_0 = arith.constant 0 : index
    %get3A_1 = vector.load %arg1[%get3A, %get3A_0] : memref<10000x2xf32, #tpu.memory_space<vmem>>, vector<10000x2xf32>
    %reduce_sum3A = arith.constant dense<0.000000e+00> : vector<10000xf32>
    %reduce_sum3A_2 = vector.multi_reduction <add>, %get3A_1, %reduce_sum3A [1] : vector<10000x2xf32> to vector<10000xf32>
    %broadcast_in_dim3A = vector.shape_cast %reduce_sum3A_2 : vector<10000xf32> to vector<10000x1xf32>
    %add3A = arith.constant 1.000000e+00 : f32
    %add3A_3 = vector.broadcast %add3A : f32 to vector<10000x1xf32>
    %add3A_4 = arith.addf %broadcast_in_dim3A, %add3A_3 : vector<10000x1xf32>
    %rsqrt3A = math.rsqrt %add3A_4 : vector<10000x1xf32>
    %swap3A = arith.constant 0 : index
    %swap3A_5 = arith.constant 0 : index
    %swap3A_6 = vector.load %arg3[%swap3A, %swap3A_5] : memref<10000x1xf32, #tpu.memory_space<vmem>>, vector<10000x1xf32>
    tpu.vector_store %arg3[%swap3A, %swap3A_5], %rsqrt3A {strides = array<i32>} : memref<10000x1xf32, #tpu.memory_space<vmem>>, vector<10000x1xf32>,
    %get3A_7 = arith.constant 0 : index
    %get3A_8 = arith.constant 0 : index
    %get3A_9 = vector.load %arg0[%get3A_7, %get3A_8] : memref<10000x128xf32, #tpu.memory_space<vmem>>, vector<10000x128xf32>
    %mul3A = vector.broadcast %rsqrt3A : vector<10000x1xf32> to vector<10000x128xf32>
    %mul3A_10 = arith.mulf %get3A_9, %mul3A : vector<10000x128xf32>
    %swap3A_11 = arith.constant 0 : index
    %swap3A_12 = arith.constant 0 : index
    %swap3A_13 = vector.load %arg2[%swap3A_11, %swap3A_12] : memref<10000x128xf32, #tpu.memory_space<vmem>>, vector<10000x128xf32>
    tpu.vector_store %arg2[%swap3A_11, %swap3A_12], %mul3A_10 {strides = array<i32>} : memref<10000x128xf32, #tpu.memory_space<vmem>>, vector<10000x128xf32>,
    return
  }
}

module attributes {stable_mosaic.version = 14 : i64} {
  func.func @body(%arg0: memref<10000x128xf32, #tpu.memory_space<vmem>>, %arg1: memref<10000x128xf32, #tpu.memory_space<vmem>>, %arg2: memref<10000x128xf32, #tpu.memory_space<vmem>>, %arg3: memref<10000x1xf32, #tpu.memory_space<vmem>>, %arg4: memref<128x256xf32, #tpu.memory_space<vmem>>, %arg5: memref<1x256xf32, #tpu.memory_space<vmem>>, %arg6: memref<1x256xf32, #tpu.memory_space<vmem>>, %arg7: memref<1x256xf32, #tpu.memory_space<vmem>>, %arg8: memref<1x256xf32, #tpu.memory_space<vmem>>, %arg9: memref<256x128xf32, #tpu.memory_space<vmem>>, %arg10: memref<10000x128xf32, #tpu.memory_space<vmem>>) attributes {dimension_semantics = [], scalar_prefetch = 0 : i64, scratch_operands = 0 : i64, tpu.core_type = #tpu.core_type<tc>} {
    %get3A = arith.constant 0 : index
    %get3A_0 = arith.constant 0 : index
    %get3A_1 = vector.load %arg3[%get3A, %get3A_0] : memref<10000x1xf32, #tpu.memory_space<vmem>>, vector<10000x1xf32>
    %get3A_2 = arith.constant 0 : index
    %get3A_3 = arith.constant 0 : index
    %get3A_4 = vector.load %arg0[%get3A_2, %get3A_3] : memref<10000x128xf32, #tpu.memory_space<vmem>>, vector<10000x128xf32>
    %get3A_5 = arith.constant 0 : index
    %get3A_6 = arith.constant 0 : index
    %get3A_7 = vector.load %arg1[%get3A_5, %get3A_6] : memref<10000x128xf32, #tpu.memory_space<vmem>>, vector<10000x128xf32>
    %add3A = arith.addf %get3A_4, %get3A_7 : vector<10000x128xf32>
    %get3A_8 = arith.constant 0 : index
    %get3A_9 = arith.constant 0 : index
    %get3A_10 = vector.load %arg2[%get3A_8, %get3A_9] : memref<10000x128xf32, #tpu.memory_space<vmem>>, vector<10000x128xf32>
    %add3A_11 = arith.addf %add3A, %get3A_10 : vector<10000x128xf32>
    %mul3A = vector.broadcast %get3A_1 : vector<10000x1xf32> to vector<10000x128xf32>
    %mul3A_12 = arith.mulf %mul3A, %add3A_11 : vector<10000x128xf32>
    %get3A_13 = arith.constant 0 : index
    %get3A_14 = arith.constant 0 : index
    %get3A_15 = vector.load %arg4[%get3A_13, %get3A_14] : memref<128x256xf32, #tpu.memory_space<vmem>>, vector<128x256xf32>
    %dot_general3A = arith.constant dense<0.000000e+00> : vector<10000x256xf32>
    %dot_general3A_16 = tpu.matmul %mul3A_12, %get3A_15, %dot_general3A {dimension_numbers = #tpu.dot_dimension_numbers<[1], [0], [0], [1], [0, 0, 1, 1], [], []>, transpose_lhs_hint = false} : vector<10000x128xf32>, vector<128x256xf32>, vector<10000x256xf32> -> vector<10000x256xf32>
    %get3A_17 = arith.constant 0 : index
    %get3A_18 = arith.constant 0 : index
    %get3A_19 = vector.load %arg5[%get3A_17, %get3A_18] : memref<1x256xf32, #tpu.memory_space<vmem>>, vector<1x256xf32>
    %add3A_20 = vector.broadcast %get3A_19 : vector<1x256xf32> to vector<10000x256xf32>
    %add3A_21 = arith.addf %dot_general3A_16, %add3A_20 : vector<10000x256xf32>
    %get3A_22 = arith.constant 0 : index
    %get3A_23 = arith.constant 0 : index
    %get3A_24 = vector.load %arg6[%get3A_22, %get3A_23] : memref<1x256xf32, #tpu.memory_space<vmem>>, vector<1x256xf32>
    %get3A_25 = arith.constant 0 : index
    %get3A_26 = arith.constant 0 : index
    %get3A_27 = vector.load %arg7[%get3A_25, %get3A_26] : memref<1x256xf32, #tpu.memory_space<vmem>>, vector<1x256xf32>
    %get3A_28 = arith.constant 0 : index
    %get3A_29 = arith.constant 0 : index
    %get3A_30 = vector.load %arg8[%get3A_28, %get3A_29] : memref<1x256xf32, #tpu.memory_space<vmem>>, vector<1x256xf32>
    %reduce_sum3A = arith.constant dense<0.000000e+00> : vector<256xf32>
    %reduce_sum3A_31 = vector.multi_reduction <add>, %add3A_21, %reduce_sum3A [0] : vector<10000x256xf32> to vector<256xf32>
    %broadcast_in_dim3A = vector.shape_cast %reduce_sum3A_31 : vector<256xf32> to vector<1x256xf32>
    %div3A = arith.constant 1.000000e+04 : f32
    %div3A_32 = vector.broadcast %div3A : f32 to vector<1x256xf32>
    %div3A_33 = arith.divf %broadcast_in_dim3A, %div3A_32 : vector<1x256xf32>
    %mul3A_34 = arith.mulf %get3A_30, %div3A_33 : vector<1x256xf32>
    %sub3A = vector.broadcast %mul3A_34 : vector<1x256xf32> to vector<10000x256xf32>
    %sub3A_35 = arith.subf %add3A_21, %sub3A : vector<10000x256xf32>
    %mul3A_36 = arith.mulf %sub3A_35, %sub3A_35 : vector<10000x256xf32>
    %reduce_sum3A_37 = arith.constant dense<0.000000e+00> : vector<256xf32>
    %reduce_sum3A_38 = vector.multi_reduction <add>, %mul3A_36, %reduce_sum3A_37 [0] : vector<10000x256xf32> to vector<256xf32>
    %broadcast_in_dim3A_39 = vector.shape_cast %reduce_sum3A_38 : vector<256xf32> to vector<1x256xf32>
    %div3A_40 = arith.constant 1.000000e+04 : f32
    %div3A_41 = vector.broadcast %div3A_40 : f32 to vector<1x256xf32>
    %div3A_42 = arith.divf %broadcast_in_dim3A_39, %div3A_41 : vector<1x256xf32>
    %mul3A_43 = vector.broadcast %get3A_24 : vector<1x256xf32> to vector<10000x256xf32>
    %mul3A_44 = arith.mulf %mul3A_43, %sub3A_35 : vector<10000x256xf32>
    %add3A_45 = arith.constant 9.99999974E-6 : f32
    %add3A_46 = vector.broadcast %add3A_45 : f32 to vector<1x256xf32>
    %add3A_47 = arith.addf %div3A_42, %add3A_46 : vector<1x256xf32>
    %sqrt3A = math.sqrt %add3A_47 : vector<1x256xf32>
    %div3A_48 = vector.broadcast %sqrt3A : vector<1x256xf32> to vector<10000x256xf32>
    %div3A_49 = arith.divf %mul3A_44, %div3A_48 : vector<10000x256xf32>
    %add3A_50 = vector.broadcast %get3A_27 : vector<1x256xf32> to vector<10000x256xf32>
    %add3A_51 = arith.addf %div3A_49, %add3A_50 : vector<10000x256xf32>
    %max3A = arith.constant 0.000000e+00 : f32
    %max3A_52 = vector.broadcast %max3A : f32 to vector<10000x256xf32>
    %max3A_53 = arith.maximumf %add3A_51, %max3A_52 : vector<10000x256xf32>
    %get3A_54 = arith.constant 0 : index
    %get3A_55 = arith.constant 0 : index
    %get3A_56 = vector.load %arg9[%get3A_54, %get3A_55] : memref<256x128xf32, #tpu.memory_space<vmem>>, vector<256x128xf32>
    %dot_general3A_57 = arith.constant dense<0.000000e+00> : vector<10000x128xf32>
    %dot_general3A_58 = tpu.matmul %max3A_53, %get3A_56, %dot_general3A_57 {dimension_numbers = #tpu.dot_dimension_numbers<[1], [0], [0], [1], [0, 0, 1, 1], [], []>, transpose_lhs_hint = false} : vector<10000x256xf32>, vector<256x128xf32>, vector<10000x128xf32> -> vector<10000x128xf32>
    %mul3A_59 = vector.broadcast %get3A_1 : vector<10000x1xf32> to vector<10000x128xf32>
    %mul3A_60 = arith.mulf %mul3A_59, %dot_general3A_58 : vector<10000x128xf32>
    %swap3A = arith.constant 0 : index
    %swap3A_61 = arith.constant 0 : index
    %swap3A_62 = vector.load %arg10[%swap3A, %swap3A_61] : memref<10000x128xf32, #tpu.memory_space<vmem>>, vector<10000x128xf32>
    tpu.vector_store %arg10[%swap3A, %swap3A_61], %mul3A_60 {strides = array<i32>} : memref<10000x128xf32, #tpu.memory_space<vmem>>, vector<10000x128xf32>,
    return
  }
}

module attributes {stable_mosaic.version = 14 : i64} {
  func.func @body(%arg0: memref<10000x128xf32, #tpu.memory_space<vmem>>, %arg1: memref<10000x128xf32, #tpu.memory_space<vmem>>, %arg2: memref<10000x128xf32, #tpu.memory_space<vmem>>, %arg3: memref<10000x1xf32, #tpu.memory_space<vmem>>, %arg4: memref<1x128xf32, #tpu.memory_space<vmem>>, %arg5: memref<1x128xf32, #tpu.memory_space<vmem>>, %arg6: memref<1x128xf32, #tpu.memory_space<vmem>>, %arg7: memref<1x128xf32, #tpu.memory_space<vmem>>, %arg8: memref<10000x128xf32, #tpu.memory_space<vmem>>) attributes {dimension_semantics = [], scalar_prefetch = 0 : i64, scratch_operands = 0 : i64, tpu.core_type = #tpu.core_type<tc>} {
    %get3A = arith.constant 0 : index
    %get3A_0 = arith.constant 0 : index
    %get3A_1 = vector.load %arg3[%get3A, %get3A_0] : memref<10000x1xf32, #tpu.memory_space<vmem>>, vector<10000x1xf32>
    %get3A_2 = arith.constant 0 : index
    %get3A_3 = arith.constant 0 : index
    %get3A_4 = vector.load %arg0[%get3A_2, %get3A_3] : memref<10000x128xf32, #tpu.memory_space<vmem>>, vector<10000x128xf32>
    %get3A_5 = arith.constant 0 : index
    %get3A_6 = arith.constant 0 : index
    %get3A_7 = vector.load %arg1[%get3A_5, %get3A_6] : memref<10000x128xf32, #tpu.memory_space<vmem>>, vector<10000x128xf32>
    %add3A = arith.addf %get3A_4, %get3A_7 : vector<10000x128xf32>
    %get3A_8 = arith.constant 0 : index
    %get3A_9 = arith.constant 0 : index
    %get3A_10 = vector.load %arg2[%get3A_8, %get3A_9] : memref<10000x128xf32, #tpu.memory_space<vmem>>, vector<10000x128xf32>
    %add3A_11 = arith.addf %add3A, %get3A_10 : vector<10000x128xf32>
    %mul3A = vector.broadcast %get3A_1 : vector<10000x1xf32> to vector<10000x128xf32>
    %mul3A_12 = arith.mulf %mul3A, %add3A_11 : vector<10000x128xf32>
    %get3A_13 = arith.constant 0 : index
    %get3A_14 = arith.constant 0 : index
    %get3A_15 = vector.load %arg4[%get3A_13, %get3A_14] : memref<1x128xf32, #tpu.memory_space<vmem>>, vector<1x128xf32>
    %add3A_16 = vector.broadcast %get3A_15 : vector<1x128xf32> to vector<10000x128xf32>
    %add3A_17 = arith.addf %mul3A_12, %add3A_16 : vector<10000x128xf32>
    %get3A_18 = arith.constant 0 : index
    %get3A_19 = arith.constant 0 : index
    %get3A_20 = vector.load %arg5[%get3A_18, %get3A_19] : memref<1x128xf32, #tpu.memory_space<vmem>>, vector<1x128xf32>
    %get3A_21 = arith.constant 0 : index
    %get3A_22 = arith.constant 0 : index
    %get3A_23 = vector.load %arg6[%get3A_21, %get3A_22] : memref<1x128xf32, #tpu.memory_space<vmem>>, vector<1x128xf32>
    %get3A_24 = arith.constant 0 : index
    %get3A_25 = arith.constant 0 : index
    %get3A_26 = vector.load %arg7[%get3A_24, %get3A_25] : memref<1x128xf32, #tpu.memory_space<vmem>>, vector<1x128xf32>
    %reduce_sum3A = arith.constant dense<0.000000e+00> : vector<128xf32>
    %reduce_sum3A_27 = vector.multi_reduction <add>, %add3A_17, %reduce_sum3A [0] : vector<10000x128xf32> to vector<128xf32>
    %broadcast_in_dim3A = vector.shape_cast %reduce_sum3A_27 : vector<128xf32> to vector<1x128xf32>
    %div3A = arith.constant 1.000000e+04 : f32
    %div3A_28 = vector.broadcast %div3A : f32 to vector<1x128xf32>
    %div3A_29 = arith.divf %broadcast_in_dim3A, %div3A_28 : vector<1x128xf32>
    %mul3A_30 = arith.mulf %get3A_26, %div3A_29 : vector<1x128xf32>
    %sub3A = vector.broadcast %mul3A_30 : vector<1x128xf32> to vector<10000x128xf32>
    %sub3A_31 = arith.subf %add3A_17, %sub3A : vector<10000x128xf32>
    %mul3A_32 = arith.mulf %sub3A_31, %sub3A_31 : vector<10000x128xf32>
    %reduce_sum3A_33 = arith.constant dense<0.000000e+00> : vector<128xf32>
    %reduce_sum3A_34 = vector.multi_reduction <add>, %mul3A_32, %reduce_sum3A_33 [0] : vector<10000x128xf32> to vector<128xf32>
    %broadcast_in_dim3A_35 = vector.shape_cast %reduce_sum3A_34 : vector<128xf32> to vector<1x128xf32>
    %div3A_36 = arith.constant 1.000000e+04 : f32
    %div3A_37 = vector.broadcast %div3A_36 : f32 to vector<1x128xf32>
    %div3A_38 = arith.divf %broadcast_in_dim3A_35, %div3A_37 : vector<1x128xf32>
    %mul3A_39 = vector.broadcast %get3A_20 : vector<1x128xf32> to vector<10000x128xf32>
    %mul3A_40 = arith.mulf %mul3A_39, %sub3A_31 : vector<10000x128xf32>
    %add3A_41 = arith.constant 9.99999974E-6 : f32
    %add3A_42 = vector.broadcast %add3A_41 : f32 to vector<1x128xf32>
    %add3A_43 = arith.addf %div3A_38, %add3A_42 : vector<1x128xf32>
    %sqrt3A = math.sqrt %add3A_43 : vector<1x128xf32>
    %div3A_44 = vector.broadcast %sqrt3A : vector<1x128xf32> to vector<10000x128xf32>
    %div3A_45 = arith.divf %mul3A_40, %div3A_44 : vector<10000x128xf32>
    %add3A_46 = vector.broadcast %get3A_23 : vector<1x128xf32> to vector<10000x128xf32>
    %add3A_47 = arith.addf %div3A_45, %add3A_46 : vector<10000x128xf32>
    %max3A = arith.constant 0.000000e+00 : f32
    %max3A_48 = vector.broadcast %max3A : f32 to vector<10000x128xf32>
    %max3A_49 = arith.maximumf %add3A_47, %max3A_48 : vector<10000x128xf32>
    %swap3A = arith.constant 0 : index
    %swap3A_50 = arith.constant 0 : index
    %swap3A_51 = vector.load %arg8[%swap3A, %swap3A_50] : memref<10000x128xf32, #tpu.memory_space<vmem>>, vector<10000x128xf32>
    tpu.vector_store %arg8[%swap3A, %swap3A_50], %max3A_49 {strides = array<i32>} : memref<10000x128xf32, #tpu.memory_space<vmem>>, vector<10000x128xf32>,
    return
  }
}

</mosaic_0001>

<sc_bundles>
// kernel: kernel.11.cloned.1.call-start
scs
__scs_entry_jumppad:
0x0: {  	(pc) =	sbr.rel $0x88, $3  }
0x1: {  	(tag) =	ssettag $0x0;
	lr =	simm.s32 $0x1  }
0x2: {  	[smem:$0x3F95] =	sst lr;
	_ =	strace $0xD0000000  }
0x3: {  	_ = 	snop  }
0x4: {  	_ = 	snop  }
0x5: {  	_ = 	snop  }
0x6: {  	_ = 	snop  }
0x7: {  	_ = 	snop  }
__scs_overlays_trampoline_lowered:
0x8: {  	[smem:$0x3FA4] =	sst s0  }
0x9: {  	[smem:$0x3FA5] =	sst s1  }
0xa: {  	[smem:$0x3FA6] =	sst s2  }
0xb: {  	[smem:$0x3FA7] =	sst s3  }
0xc: {  	[smem:$0x3FA8] =	sst s4  }
0xd: {  	[smem:$0x3FA9] =	sst s5  }
0xe: {  	[smem:$0x3FAA] =	sst s6  }
0xf: {  	[smem:$0x3FAB] =	sst s7  }
0x10: {  	[smem:$0x3FAC] =	sst s8  }
0x11: {  	[smem:$0x3FAD] =	sst s9;
	s0 =	simm.s32 @!p0 $0x0  }
0x12: {  	s1 =	sld [smem:$0x3F93];
	s0 =	simm.s32 @p0 $0x1  }
0x13: {  	[smem:$0x3FAE] =	sst s0;
	s0 =	simm.s32 @!p1 $0x0  }
0x14: {  	s2 =	sld [smem:$0x3F92];
	s0 =	simm.s32 @p1 $0x1  }
0x15: {  	[smem:$0x3FAF] =	sst s0;
	s0 =	simm.s32 @!p2 $0x0  }
0x16: {  	s3 =	sld [smem:$0x3FDB];
	s0 =	simm.s32 @p2 $0x1  }
0x17: {  	s4 =	simm.s32 $0x1BF5;
	[smem:$0x3FB1] =	sst s0  }
0x18: {  	s0 =	sld [smem:$0x3F94];
	_ =	swait.ge [sflag:s4], $0x0  }
0x19: {  	s7 =	sld [smem:$0x3F95]  }
0x1a: {  	s8 =	sadd.s32 $0xFFFFE003, lr  }
0x1b: {  	s9 =	sadd.s32 $0xFFFFFEF7, lr;
	s5 =	simm.s32 $0xFFFFFFFF;
	p2 =	slt.u32 s8, $0xFFFFF086  }
0x1c: {  	p1 =	slt.u32 s9, $0xF7A;
	s5 =	simm.s32 @!p2 $0x0  }
0x1d: {  	s5 =	simm.s32 @p1 $0x1;
	p0 =	seq.s32 s7, s2  }
0x1e: {  	s7 =	smul.u32 @!p0 $0xF7A, s2;
	p2 =	seq.s32 @!p0 s5, $0x0  }
0x1f: {  	s9 =	smul.u32 $0xF7A, s1;
	s8 =	simm.s32 @!p0 $0x1BF5;
	p2 =	por !p2, p0  }
0x20: {  	[sflag:s8] =	ssyncset.s32 @!p0 $0xFFFFF086;
	s6 =	sadd.s32 @!p0 s3, s7;
	s7 =	simm.s32 @!p0 $0x108  }
0x21: {  	s3 =	sadd.s32 s3, s9;
	s6 =	sadd.s32 @!p0 $0x88, s6;
	s7 =	simm.s32 @p2 $0x1082  }
0x22: {  	[simem:s7], [sflag:s8] =	dma.local @!p0 [hbm:s6], $0xF7A  }
0x23: {  	s9 =	sor.u32 $0xD0000000, s2;
	s6 =	simm.s32 $0x108;
	_ =	swait.ge @!p0 [sflag:s8], $0x0  }
0x24: {  	s3 =	sadd.s32 $0x88, s3;
	s6 =	simm.s32 @!p1 $0x1082;
	[sflag:s4] =	ssyncset.s32 $0xFFFFF086  }
0x25: {  	[simem:s6], [sflag:s4] =	dma.local [hbm:s3], $0xF7A  }
0x26: {  	[smem:$0x3F95] =	sst s1;
	(tag) =	ssettag s2;
	_ =	strace s9  }
0x27: {  	s1 =	sld [smem:$0x3FA5]  }
0x28: {  	s2 =	sld [smem:$0x3FA6]  }
0x29: {  	s4 =	sld [smem:$0x3FA8]  }
0x2a: {  	p0 =	seq.s32 s5, $0x0;
	s5 =	sld [smem:$0x3FA9]  }
0x2b: {  	s6 =	sld [smem:$0x3FAA]  }
0x2c: {  	s7 =	sld [smem:$0x3FAB]  }
0x2d: {  	s3 =	simm.s32 $0x108;
	s8 =	sld [smem:$0x3FAC]  }
0x2e: {  	s3 =	simm.s32 @!p0 $0x1082;
	s9 =	sld [smem:$0x3FAD]  }
0x2f: {  	lr =	sadd.s32 s0, s3;
	s0 =	sld [smem:$0x3FA4]  }
0x30: {  	s3 =	sld [smem:$0x3FA7]  }
0x31: {  	[smem:$0x3FB0] =	sst s10  }
0x32: {  	s10 =	sld [smem:$0x3FAE];
	_ =	sdelay $0x3  }
0x33: {  	p0 =	seq.s32 s10, $0x1;
	s10 =	sld [smem:$0x3FB0];
	_ =	sdelay $0x3  }
0x34: {  	[smem:$0x3FB0] =	sst s10  }
0x35: {  	s10 =	sld [smem:$0x3FAF];
	_ =	sdelay $0x3  }
0x36: {  	p1 =	seq.s32 s10, $0x1;
	s10 =	sld [smem:$0x3FB0];
	_ =	sdelay $0x3  }
0x37: {  	[smem:$0x3FB0] =	sst s10  }
0x38: {  	s10 =	sld [smem:$0x3FB1]  }
0x39: {  	_ = 	snop;
	(pc) =	sbr.ind lr, $3  }
0x3a: {  	_ = 	snop  }
0x3b: {  	_ = 	snop  }
0x3c: {  	p2 =	seq.s32 s10, $0x1;
	s10 =	sld [smem:$0x3FB0]  }
0x3d: {  	_ =	shalt  }
0x3e: {  	_ =	shalt  }
0x3f: {  	_ =	shalt  }
0x40: {  	_ =	shalt  }
0x41: {  	_ =	shalt  }
0x42: {  	_ =	shalt  }
0x43: {  	_ =	shalt  }
0x44: {  	_ =	shalt  }
0x45: {  	_ =	shalt  }
0x46: {  	_ =	shalt  }
0x47: {  	_ =	shalt  }
0x48: {  	_ =	shalt  }
0x49: {  	_ =	shalt  }
0x4a: {  	_ =	shalt  }
0x4b: {  	_ =	shalt  }
0x4c: {  	_ =	shalt  }
0x4d: {  	_ =	shalt  }
0x4e: {  	_ =	shalt  }
0x4f: {  	_ =	shalt  }
0x50: {  	_ =	shalt  }
0x51: {  	_ =	shalt  }
0x52: {  	_ =	shalt  }
0x53: {  	_ =	shalt  }
0x54: {  	_ =	shalt  }
0x55: {  	_ =	shalt  }
0x56: {  	_ =	shalt  }
0x57: {  	_ =	shalt  }
0x58: {  	_ =	shalt  }
0x59: {  	_ =	shalt  }
0x5a: {  	_ =	shalt  }
0x5b: {  	_ =	shalt  }
0x5c: {  	_ =	shalt  }
0x5d: {  	_ =	shalt  }
0x5e: {  	_ =	shalt  }
0x5f: {  	_ =	shalt  }
0x60: {  	_ =	shalt  }
0x61: {  	_ =	shalt  }
0x62: {  	_ =	shalt  }
0x63: {  	_ =	shalt  }
0x64: {  	_ =	shalt  }
0x65: {  	_ =	shalt  }
0x66: {  	_ =	shalt  }
0x67: {  	_ =	shalt  }
0x68: {  	_ =	shalt  }
0x69: {  	_ =	shalt  }
0x6a: {  	_ =	shalt  }
0x6b: {  	_ =	shalt  }
0x6c: {  	_ =	shalt  }
0x6d: {  	_ =	shalt  }
0x6e: {  	_ =	shalt  }
0x6f: {  	_ =	shalt  }
0x70: {  	_ =	shalt  }
0x71: {  	_ =	shalt  }
0x72: {  	_ =	shalt  }
0x73: {  	_ =	shalt  }
0x74: {  	_ =	shalt  }
0x75: {  	_ =	shalt  }
0x76: {  	_ =	shalt  }
0x77: {  	_ =	shalt  }
0x78: {  	_ =	shalt  }
0x79: {  	_ =	shalt  }
0x7a: {  	_ =	shalt  }
0x7b: {  	_ =	shalt  }
0x7c: {  	_ =	shalt  }
0x7d: {  	_ =	shalt  }
0x7e: {  	_ =	shalt  }
0x7f: {  	_ =	shalt  }
0x80: {  	_ =	shalt  }
0x81: {  	_ =	shalt  }
0x82: {  	_ =	shalt  }
0x83: {  	_ =	shalt  }
0x84: {  	_ =	shalt  }
0x85: {  	_ =	shalt  }
0x86: {  	_ =	shalt  }
0x87: {  	_ =	shalt  }
.Lfunc_end0:
.L_simem_size_0:
called_computation.1_lowered:
.L_overlay_start_0:
0x88: {  	s2 =	sld [smem:$0x3FD9]  }
0x89: {  	s3 =	sld [smem:$0x3FFE];
	_ =	sdelay $0x1  }
0x8a: {  	s1 =	srdreg.scid  }
0x8b: {  	s0 =	sand.u32 $0x1, s1  }
0x8c: {  	s17 =	sshll.u32 s0, $0xA;
	s2 =	sadd.s32 s3, s2  }
0x8d: {  	s2 =	sadd.s32 s2, s17  }
0x8e: {  	[smem:$0x3FBC] =	sst s2  }
0x8f: {  	_ = 	snop  }
0x90: {  	s2 =	sld [smem:$0x3FD0];
	(tm) =	ssettm $0x1  }
0x91: {  	s18 =	sld [smem:$0x3FFB];
	_ =	sdelay $0x3  }
0x92: {  	_ =	strace s18  }
0x93: {  	s3 =	sld [smem:$0x3FFC];
	_ =	sdelay $0x3  }
0x94: {  	_ =	strace s3  }
0x95: {  	s3 =	sld [smem:$0x3FFD];
	_ =	sdelay $0x3  }
0x96: {  	_ =	strace s3  }
0x97: {  	_ =	strace $0x8FFFFFFF  }
0x98: {  	s19 =	sld [smem:$0x3FDB];
	_ =	sdelay $0x1  }
0x99: {  	s4 =	simm.s32 $_scs_section_size  }
0x9a: {  	s5 =	simm.s32 $_size__tile_overlayer_lowered;
	s6 =	simm.s32 $_tile_overlayer_lowered  }
0x9b: {  	s22 =	simm.s32 $0x1BFF;
	s21 =	sshll.u32 s6, $0x1;
	s3 =	sadd.s32 s4, s19  }
0x9c: {  	s7 =	simm.s32 $0x0;
	s20 =	sshll.u32 s5, $0x1;
	s5 =	sadd.s32 s21, s3  }
0x9d: {  	[timem:s7], [sflag:s22] =	dma.local [hbm:s5], s20  }
0x9e: {  	_ =	swait.ge [sflag:s22], s20  }
0x9f: {  	s4 =	ssub.s32 $0x0, s20;
	[sflag:s22] =	ssyncset.done $0x0  }
0xa0: {  	[sflag:s22] =	ssyncadd.s32 s4;
	_ =	sdelay $0x1  }
0xa1: {  	s23 =	simm.s32 $0x1B8B  }
0xa2: {  	_ =	swait.ge [sflag:s23], $0x1  }
0xa3: {  	[sflag:s23] =	ssyncset.done $0x0  }
0xa4: {  	s25 =	simm.s32 $0x1B8E;
	s24 =	sld [smem:$0x3FFE];
	[sflag:s23] =	ssyncadd.s32 $0xFFFFFFFF  }
0xa5: {  	s26 =	simm.s32 $execute0_lowered;
	[smem:$0x3FD2] =	sst s25  }
0xa6: {  	s5 =	sshll.u32 s26, $0x1;
	_ =	strace $0x80000049;
	[dreg:$0x1] =	wrdreg $0xFFFFFFFF  }
0xa7: {  	s28 =	simm.s32 $_size_execute0_lowered;
	s3 =	sadd.s32 s3, s5;
	[dreg:$0x0] =	wrdreg $0x0  }
0xa8: {  	s5 =	sshll.u32 s28, $0x1;
	[dreg:$0x2] =	wrdreg s3  }
0xa9: {  	[dreg:$0x3] =	wrdreg s5  }
0xaa: {  	[dreg:$0x4] =	wrdreg $0xC0  }
0xab: {  	_ =	task [dreg:s7], $0x5FFFF  }
0xac: {  	[dreg:$0x1] =	wrdreg $0xFFFFFFFF  }
0xad: {  	[dreg:$0x0] =	wrdreg $0x60  }
0xae: {  	[dreg:$0x2] =	wrdreg s2  }
0xaf: {  	[dreg:$0x3] =	wrdreg s24  }
0xb0: {  	[dreg:$0x4] =	wrdreg $0xA8000  }
0xb1: {  	[dreg:$0x5] =	wrdreg $0x9  }
0xb2: {  	_ =	task.clear_ibuf [dreg:s7], $0x6FFFF;
	_ =	strace $0x90000049  }
0xb3: {  	s29 =	simm.s32 $0x9;
	_ =	strace $0x8000004B  }
0xb4: {  	_ =	swait.ge [sflag:s29], $0x1  }
0xb5: {  	[sflag:s29] =	ssyncadd.s32 $0xFFFFFFFF  }
0xb6: {  	_ =	strace $0x9000004B  }
0xb7: {  	_ =	sfence  }
0xb8: {  	s30 =	sld [smem:$0x0];
	_ =	sdelay $0x2  }
0xb9: {  	s31 =	sshll.u32 s1, $0xD;
	s1 =	sshrl.u32 s1, $0x2  }
0xba: {  	s3 =	sand.u32 $0x4000, s31;
	s1 =	sadd.s32 s1, s30  }
0xbb: {  	s0 =	sor.u32 s3, s0;
	s1 =	sshll.u32 s1, $0x11  }
0xbc: {  	s0 =	sor.u32 s1, s0  }
0xbd: {  	s0 =	sadd.s32 $0x8F2B, s0  }
0xbe: {  	[sflag:s0] =	ssyncadd.remote.s32 $0x1  }
0xbf: {  	_ =	sfence.sel $0xFFFF  }
0xc0: {  	[dreg:$0x0] =	wrdreg $0xFFFFFFFF;
	(pc) =	sbr.abs _section_cstart, $3  }
0xc1: {  	[dreg:$0x1] =	wrdreg $0xFFFFFFFF  }
0xc2: {  	_ =	task.clear_ibuf [dreg:s7], $0x2FFFF;
	_ =	strace $0x9FFFFFFF  }
0xc3: {  	(tm) =	ssettm $0x7FFFFFFF  }
tec
execute0_lowered:
.L_overlay_start_1:
0x0: {  	(tag) =	ssettag $0x1  }
0x1: {  	s1 =	rddreg [dreg:$0x0]  }
0x2: {  	s6 =	rddreg [dreg:$0x1]  }
0x3: {  	s2 =	rddreg [dreg:$0x2]  }
0x4: {  	s0 =	rddreg [dreg:$0x3];
	s4 =	simm.s32 $0x0;
	s3 =	srdreg.scid  }
0x5: {  	s14 =	simm.s32 $0x50;
	s15 =	simm.s32 $0x8000;
	s16 =	simm.s32 $0x1  }
0x6: {  	s17 =	simm.s32 $0x0;
	s5 =	sand.u32 $0x1, s3;
	s3 =	stileid.u32  }
0x7: {  	[smem:$0x7FF] =	sst s4;
	s7 =	smul.u32 $0x140000, s5;
	s8 =	sshll.u32 s3, $0xC  }
0x8: {  	s9 =	sshll.u32 s5, $0xB;
	s10 =	smul.u32 $0x14000, s3;
	_ =	strace $0x8000004A  }
0x9: {  	s28 =	ssub.s32 $0x2, s5;
	s11 =	smul.u32 $0x50000, s3;
	s5 =	sadd.s32 $0x13E00, s6  }
0xa: {  	s31 =	sshll.u32 s3, $0x6;
	s8 =	sor.u32 s9, s8;
	s29 =	sshrl.u32 s28, $0x1  }
0xb: {  	s8 =	sadd.s32 s8, s6;
	s7 =	sadd.s32 s10, s7;
	s9 =	ssub.s32 s28, s29  }
0xc: {  	s30 =	sshrl.u32 s11, $0x2;
	s10 =	simm.s32 $0x2;
	s11 =	simm.s32 $0x4000  }
0xd: {  	s7 =	sshrl.u32 s7, $0x3;
	s13 =	sadd.s32 s30, s2;
	s9 =	smax.u32 s9, $0x1  }
0xe: {  	s12 =	sadd.s32 s7, s6;
	s6 =	sadd.s32 $0x66600, s8;
	s7 =	sadd.s32 $0x3E00, s8  }
0xf: {  	s13 =	sshrl.u32 s13, $0x3;
	s8 =	sadd.s32 $0x76600, s12;
	s12 =	sor.u32 $0x1C02, s31  }
.LBB2_1:
0x10: {  	[tilespmem:s4], [sflag:$0x2] =	stream.linear.gather [hbm4b:s6+s4], $0x3E80, $0x38;
	[tilespmem:$0x1E800] =	vst v63  }
0x11: {  	_ =	swait.ge [sflag:s10], $0x3E80  }
0x12: {  	[sflag:s10] =	ssyncset.done $0x0  }
0x13: {  	[sflag:s10] =	ssyncadd.s32 $0xFFFFC180  }
0x14: {  	[tilespmem:s11], [sflag:$0x2] =	stream.linear.gather [hbm4b:s7+s4], $0x3E80, $0x38;
	[tilespmem:$0x1E800] =	vst v63  }
0x15: {  	_ =	swait.ge [sflag:s10], $0x3E80  }
0x16: {  	[sflag:s10] =	ssyncset.done $0x0  }
0x17: {  	[sflag:s10] =	ssyncadd.s32 $0xFFFFC180  }
0x18: {  	[spmem:s13], [sflag:s12] =	dma.local [hbm:s5], $0x2800  }
0x19: {  	_ =	swait.ge [sflag:s10], $0x2800  }
0x1a: {  	[sflag:s10] =	ssyncset.done $0x0  }
0x1b: {  	[sflag:s10] =	ssyncadd.s32 $0xFFFFD800  }
0x1c: {  	s18 =	simm.s32 $0x0;
	[bflag:$0x0] =	sbarrier.arrive $0xFFFF  }
0x1d: {  	[tilespmem:s15], [sflag:$0x1] =	stream.indirect.gather [hbm4b:s1+s14], $0x80, s18, s14, $0xb8;
	[tilespmem:$0x1E800] =	vst v63  }
0x1e: {  	_ =	swait.ge [sflag:s16], $0x2800  }
0x1f: {  	[sflag:s16] =	ssyncset.done $0x0  }
0x20: {  	s31 =	simm.s32 $0x4000;
	[sflag:s16] =	ssyncadd.s32 $0xFFFFD800  }
0x21: {  	[spmem:s2] =	stream.indirect.scatter.add.f32 [tilespmem:s15], [sflag:$0x2], $0x80, s31, s14, $0xb8;
	[tilespmem:$0x1E800] =	vst v63  }
0x22: {  	_ =	swait.ge [sflag:s10], $0x2800  }
0x23: {  	s19 =	simm.s32 $0x400;
	s18 =	simm.s32 $0x200;
	[sflag:s10] =	ssyncset.done $0x0  }
.LBB2_2:
0x24: {  	s20 =	sshra.s32 s18, $0x2  }
0x25: {  	[sflag:s10] =	ssyncadd.s32 $0xFFFFD800;
	s18 =	smov.u32 s19;
	s21 =	sadd.s32 $0x200, s19  }
0x26: {  	[tilespmem:s15], [sflag:$0x1] =	stream.indirect.gather [hbm4b:s1+s14], $0x80, s20, s14, $0xb8;
	[tilespmem:$0x1E800] =	vst v63  }
0x27: {  	p0 =	sne.s32 s19, $0xF800;
	_ =	swait.ge [sflag:s16], $0x2800  }
.Ltmp0:
0x28: {  	[sflag:s16] =	ssyncset.done $0x0;
	(pc) =	sbr.rel @p0 .LBB2_2-.Ltmp0, $4  }
0x29: {  	s19 =	sadd.s32 $0x4000, s20;
	[sflag:s16] =	ssyncadd.s32 $0xFFFFD800  }
0x2a: {  	[spmem:s2] =	stream.indirect.scatter.add.f32 [tilespmem:s15], [sflag:$0x2], $0x80, s19, s14, $0xb8;
	[tilespmem:$0x1E800] =	vst v63  }
0x2b: {  	_ =	swait.ge [sflag:s10], $0x2800  }
0x2c: {  	s19 =	smov.u32 s21;
	[sflag:s10] =	ssyncset.done $0x0  }
0x2d: {  	s18 =	sshra.s32 s18, $0x2;
	[sflag:s10] =	ssyncadd.s32 $0xFFFFD800  }
0x2e: {  	[tilespmem:s15], [sflag:$0x1] =	stream.indirect.gather [hbm4b:s1+s14], $0x80, s18, s14, $0xb8;
	[tilespmem:$0x1E800] =	vst v63  }
0x2f: {  	_ =	swait.ge [sflag:s16], $0x2800  }
0x30: {  	[sflag:s16] =	ssyncset.done $0x0  }
0x31: {  	s18 =	sadd.s32 $0x4000, s18;
	[sflag:s16] =	ssyncadd.s32 $0xFFFFD800  }
0x32: {  	[spmem:s2] =	stream.indirect.scatter.add.f32 [tilespmem:s15], [sflag:$0x2], $0x80, s18, s14, $0xb8;
	[tilespmem:$0x1E800] =	vst v63  }
0x33: {  	_ =	swait.ge [sflag:s10], $0x2800  }
0x34: {  	s17 =	sadd.s32 $0x1, s17;
	[sflag:s10] =	ssyncset.done $0x0  }
0x35: {  	p0 =	sne.s32 s17, s9;
	[sflag:s10] =	ssyncadd.s32 $0xFFFFD800  }
.Ltmp1:
0x36: {  	[bflag:$0x0] =	sbarrier.arrive $0xFFFF;
	(pc) =	sbr.rel @p0 .LBB2_1-.Ltmp1, $4  }
0x37: {  	[hbm:s8], [sflag:s12] =	dma.local [spmem:s13], $0x2800  }
0x38: {  	_ =	swait.ge [sflag:s10], $0x2800  }
0x39: {  	[sflag:s10] =	ssyncset.done $0x0  }
0x3a: {  	[sflag:s10] =	ssyncadd.s32 $0xFFFFD800  }
0x3b: {  	_ =	sfence.sel $0x180000  }
0x3c: {  	[bflag:$0x0] =	sbarrier.arrive $0xFFFF  }
0x3d: {  	p0 =	sne.s32 s3, $0x0;
	_ =	strace $0x9000004A  }
0x3e: {  	s0 =	sadd.s32 @!p0 $0x100000, s0;
	[bflag:$0x2] =	sbarrier.arrive $0xFFFF  }
0x3f: {  	[sflag:s0] =	ssyncadd.tile.s32 @!p0 $0x1;
	_ =	shalt  }
.Lfunc_end2:
_tile_overlayer_lowered:
.L_overlay_start_2:
0x40: {  	(tag) =	ssettag $0x2  }
0x41: {  	s0 =	rddreg [dreg:$0x0];
	s2 =	stileid.u32  }
0x42: {  	s1 =	rddreg [dreg:$0x1];
	p0 =	sne.s32 s2, $0x0  }
0x43: {  	s3 =	rddreg [dreg:$0x2];
	[bflag:$0x3] =	sbarrier.arrive $0xFFFF;
	s2 =	simm.s32 @!p0 $0x1C02  }
0x44: {  	[timem:s3], [sflag:s2] =	dma.local @!p0 [hbm:s0], s1  }
0x45: {  	s0 =	simm.s32 @!p0 $0x2  }
0x46: {  	_ =	swait.ge @!p0 [sflag:s0], s1  }
0x47: {  	s1 =	ssub.s32 @!p0 $0x0, s1;
	[sflag:s0] =	ssyncset.done @!p0 $0x0  }
0x48: {  	[sflag:s0] =	ssyncadd.s32 @!p0 s1  }
0x49: {  	[bflag:$0x3] =	sbarrier.arrive $0xFFFF  }
0x4a: {  	_ =	shalt  }

// kernel: kernel.14.cloned.1.call-start
scs
__scs_entry_jumppad:
0x0: {  	(pc) =	sbr.rel $0x88, $3  }
0x1: {  	(tag) =	ssettag $0x0;
	lr =	simm.s32 $0x1  }
0x2: {  	[smem:$0x3F95] =	sst lr;
	_ =	strace $0xD0000000  }
0x3: {  	_ = 	snop  }
0x4: {  	_ = 	snop  }
0x5: {  	_ = 	snop  }
0x6: {  	_ = 	snop  }
0x7: {  	_ = 	snop  }
__scs_overlays_trampoline_lowered:
0x8: {  	[smem:$0x3FA4] =	sst s0  }
0x9: {  	[smem:$0x3FA5] =	sst s1  }
0xa: {  	[smem:$0x3FA6] =	sst s2  }
0xb: {  	[smem:$0x3FA7] =	sst s3  }
0xc: {  	[smem:$0x3FA8] =	sst s4  }
0xd: {  	[smem:$0x3FA9] =	sst s5  }
0xe: {  	[smem:$0x3FAA] =	sst s6  }
0xf: {  	[smem:$0x3FAB] =	sst s7  }
0x10: {  	[smem:$0x3FAC] =	sst s8  }
0x11: {  	[smem:$0x3FAD] =	sst s9;
	s0 =	simm.s32 @!p0 $0x0  }
0x12: {  	s1 =	sld [smem:$0x3F93];
	s0 =	simm.s32 @p0 $0x1  }
0x13: {  	[smem:$0x3FAE] =	sst s0;
	s0 =	simm.s32 @!p1 $0x0  }
0x14: {  	s2 =	sld [smem:$0x3F92];
	s0 =	simm.s32 @p1 $0x1  }
0x15: {  	[smem:$0x3FAF] =	sst s0;
	s0 =	simm.s32 @!p2 $0x0  }
0x16: {  	s3 =	sld [smem:$0x3FDB];
	s0 =	simm.s32 @p2 $0x1  }
0x17: {  	s4 =	simm.s32 $0x1BF5;
	[smem:$0x3FB1] =	sst s0  }
0x18: {  	s0 =	sld [smem:$0x3F94];
	_ =	swait.ge [sflag:s4], $0x0  }
0x19: {  	s7 =	sld [smem:$0x3F95]  }
0x1a: {  	s8 =	sadd.s32 $0xFFFFE003, lr  }
0x1b: {  	s9 =	sadd.s32 $0xFFFFFEF7, lr;
	s5 =	simm.s32 $0xFFFFFFFF;
	p2 =	slt.u32 s8, $0xFFFFF086  }
0x1c: {  	p1 =	slt.u32 s9, $0xF7A;
	s5 =	simm.s32 @!p2 $0x0  }
0x1d: {  	s5 =	simm.s32 @p1 $0x1;
	p0 =	seq.s32 s7, s2  }
0x1e: {  	s7 =	smul.u32 @!p0 $0xF7A, s2;
	p2 =	seq.s32 @!p0 s5, $0x0  }
0x1f: {  	s9 =	smul.u32 $0xF7A, s1;
	s8 =	simm.s32 @!p0 $0x1BF5;
	p2 =	por !p2, p0  }
0x20: {  	[sflag:s8] =	ssyncset.s32 @!p0 $0xFFFFF086;
	s6 =	sadd.s32 @!p0 s3, s7;
	s7 =	simm.s32 @!p0 $0x108  }
0x21: {  	s3 =	sadd.s32 s3, s9;
	s6 =	sadd.s32 @!p0 $0x88, s6;
	s7 =	simm.s32 @p2 $0x1082  }
0x22: {  	[simem:s7], [sflag:s8] =	dma.local @!p0 [hbm:s6], $0xF7A  }
0x23: {  	s9 =	sor.u32 $0xD0000000, s2;
	s6 =	simm.s32 $0x108;
	_ =	swait.ge @!p0 [sflag:s8], $0x0  }
0x24: {  	s3 =	sadd.s32 $0x88, s3;
	s6 =	simm.s32 @!p1 $0x1082;
	[sflag:s4] =	ssyncset.s32 $0xFFFFF086  }
0x25: {  	[simem:s6], [sflag:s4] =	dma.local [hbm:s3], $0xF7A  }
0x26: {  	[smem:$0x3F95] =	sst s1;
	(tag) =	ssettag s2;
	_ =	strace s9  }
0x27: {  	s1 =	sld [smem:$0x3FA5]  }
0x28: {  	s2 =	sld [smem:$0x3FA6]  }
0x29: {  	s4 =	sld [smem:$0x3FA8]  }
0x2a: {  	p0 =	seq.s32 s5, $0x0;
	s5 =	sld [smem:$0x3FA9]  }
0x2b: {  	s6 =	sld [smem:$0x3FAA]  }
0x2c: {  	s7 =	sld [smem:$0x3FAB]  }
0x2d: {  	s3 =	simm.s32 $0x108;
	s8 =	sld [smem:$0x3FAC]  }
0x2e: {  	s3 =	simm.s32 @!p0 $0x1082;
	s9 =	sld [smem:$0x3FAD]  }
0x2f: {  	lr =	sadd.s32 s0, s3;
	s0 =	sld [smem:$0x3FA4]  }
0x30: {  	s3 =	sld [smem:$0x3FA7]  }
0x31: {  	[smem:$0x3FB0] =	sst s10  }
0x32: {  	s10 =	sld [smem:$0x3FAE];
	_ =	sdelay $0x3  }
0x33: {  	p0 =	seq.s32 s10, $0x1;
	s10 =	sld [smem:$0x3FB0];
	_ =	sdelay $0x3  }
0x34: {  	[smem:$0x3FB0] =	sst s10  }
0x35: {  	s10 =	sld [smem:$0x3FAF];
	_ =	sdelay $0x3  }
0x36: {  	p1 =	seq.s32 s10, $0x1;
	s10 =	sld [smem:$0x3FB0];
	_ =	sdelay $0x3  }
0x37: {  	[smem:$0x3FB0] =	sst s10  }
0x38: {  	s10 =	sld [smem:$0x3FB1]  }
0x39: {  	_ = 	snop;
	(pc) =	sbr.ind lr, $3  }
0x3a: {  	_ = 	snop  }
0x3b: {  	_ = 	snop  }
0x3c: {  	p2 =	seq.s32 s10, $0x1;
	s10 =	sld [smem:$0x3FB0]  }
0x3d: {  	_ =	shalt  }
0x3e: {  	_ =	shalt  }
0x3f: {  	_ =	shalt  }
0x40: {  	_ =	shalt  }
0x41: {  	_ =	shalt  }
0x42: {  	_ =	shalt  }
0x43: {  	_ =	shalt  }
0x44: {  	_ =	shalt  }
0x45: {  	_ =	shalt  }
0x46: {  	_ =	shalt  }
0x47: {  	_ =	shalt  }
0x48: {  	_ =	shalt  }
0x49: {  	_ =	shalt  }
0x4a: {  	_ =	shalt  }
0x4b: {  	_ =	shalt  }
0x4c: {  	_ =	shalt  }
0x4d: {  	_ =	shalt  }
0x4e: {  	_ =	shalt  }
0x4f: {  	_ =	shalt  }
0x50: {  	_ =	shalt  }
0x51: {  	_ =	shalt  }
0x52: {  	_ =	shalt  }
0x53: {  	_ =	shalt  }
0x54: {  	_ =	shalt  }
0x55: {  	_ =	shalt  }
0x56: {  	_ =	shalt  }
0x57: {  	_ =	shalt  }
0x58: {  	_ =	shalt  }
0x59: {  	_ =	shalt  }
0x5a: {  	_ =	shalt  }
0x5b: {  	_ =	shalt  }
0x5c: {  	_ =	shalt  }
0x5d: {  	_ =	shalt  }
0x5e: {  	_ =	shalt  }
0x5f: {  	_ =	shalt  }
0x60: {  	_ =	shalt  }
0x61: {  	_ =	shalt  }
0x62: {  	_ =	shalt  }
0x63: {  	_ =	shalt  }
0x64: {  	_ =	shalt  }
0x65: {  	_ =	shalt  }
0x66: {  	_ =	shalt  }
0x67: {  	_ =	shalt  }
0x68: {  	_ =	shalt  }
0x69: {  	_ =	shalt  }
0x6a: {  	_ =	shalt  }
0x6b: {  	_ =	shalt  }
0x6c: {  	_ =	shalt  }
0x6d: {  	_ =	shalt  }
0x6e: {  	_ =	shalt  }
0x6f: {  	_ =	shalt  }
0x70: {  	_ =	shalt  }
0x71: {  	_ =	shalt  }
0x72: {  	_ =	shalt  }
0x73: {  	_ =	shalt  }
0x74: {  	_ =	shalt  }
0x75: {  	_ =	shalt  }
0x76: {  	_ =	shalt  }
0x77: {  	_ =	shalt  }
0x78: {  	_ =	shalt  }
0x79: {  	_ =	shalt  }
0x7a: {  	_ =	shalt  }
0x7b: {  	_ =	shalt  }
0x7c: {  	_ =	shalt  }
0x7d: {  	_ =	shalt  }
0x7e: {  	_ =	shalt  }
0x7f: {  	_ =	shalt  }
0x80: {  	_ =	shalt  }
0x81: {  	_ =	shalt  }
0x82: {  	_ =	shalt  }
0x83: {  	_ =	shalt  }
0x84: {  	_ =	shalt  }
0x85: {  	_ =	shalt  }
0x86: {  	_ =	shalt  }
0x87: {  	_ =	shalt  }
.Lfunc_end0:
.L_simem_size_0:
called_computation.2_lowered:
.L_overlay_start_0:
0x88: {  	s2 =	sld [smem:$0x3FD9]  }
0x89: {  	s3 =	sld [smem:$0x3FFE];
	_ =	sdelay $0x1  }
0x8a: {  	s1 =	srdreg.scid  }
0x8b: {  	s0 =	sand.u32 $0x1, s1  }
0x8c: {  	s17 =	sshll.u32 s0, $0xA;
	s2 =	sadd.s32 s3, s2  }
0x8d: {  	s2 =	sadd.s32 s2, s17  }
0x8e: {  	[smem:$0x3FBC] =	sst s2  }
0x8f: {  	_ = 	snop  }
0x90: {  	s2 =	sld [smem:$0x3FD0];
	(tm) =	ssettm $0x1  }
0x91: {  	s18 =	sld [smem:$0x3FFB];
	_ =	sdelay $0x3  }
0x92: {  	_ =	strace s18  }
0x93: {  	s3 =	sld [smem:$0x3FFC];
	_ =	sdelay $0x3  }
0x94: {  	_ =	strace s3  }
0x95: {  	s3 =	sld [smem:$0x3FFD];
	_ =	sdelay $0x3  }
0x96: {  	_ =	strace s3  }
0x97: {  	_ =	strace $0x8FFFFFFF  }
0x98: {  	s19 =	sld [smem:$0x3FDB];
	_ =	sdelay $0x1  }
0x99: {  	s4 =	simm.s32 $_scs_section_size  }
0x9a: {  	s5 =	simm.s32 $_size__tile_overlayer_lowered;
	s6 =	simm.s32 $_tile_overlayer_lowered  }
0x9b: {  	s22 =	simm.s32 $0x1BFF;
	s21 =	sshll.u32 s6, $0x1;
	s3 =	sadd.s32 s4, s19  }
0x9c: {  	s7 =	simm.s32 $0x0;
	s20 =	sshll.u32 s5, $0x1;
	s5 =	sadd.s32 s21, s3  }
0x9d: {  	[timem:s7], [sflag:s22] =	dma.local [hbm:s5], s20  }
0x9e: {  	_ =	swait.ge [sflag:s22], s20  }
0x9f: {  	s4 =	ssub.s32 $0x0, s20;
	[sflag:s22] =	ssyncset.done $0x0  }
0xa0: {  	[sflag:s22] =	ssyncadd.s32 s4;
	_ =	sdelay $0x1  }
0xa1: {  	s23 =	simm.s32 $0x1B8B  }
0xa2: {  	_ =	swait.ge [sflag:s23], $0x1  }
0xa3: {  	[sflag:s23] =	ssyncset.done $0x0  }
0xa4: {  	s25 =	simm.s32 $0x1B8E;
	s24 =	sld [smem:$0x3FFE];
	[sflag:s23] =	ssyncadd.s32 $0xFFFFFFFF  }
0xa5: {  	s26 =	simm.s32 $execute0_lowered;
	[smem:$0x3FD2] =	sst s25  }
0xa6: {  	s5 =	sshll.u32 s26, $0x1;
	_ =	strace $0x8000004C;
	[dreg:$0x1] =	wrdreg $0xFFFFFFFF  }
0xa7: {  	s28 =	simm.s32 $_size_execute0_lowered;
	s3 =	sadd.s32 s3, s5;
	[dreg:$0x0] =	wrdreg $0x0  }
0xa8: {  	s5 =	sshll.u32 s28, $0x1;
	[dreg:$0x2] =	wrdreg s3  }
0xa9: {  	[dreg:$0x3] =	wrdreg s5  }
0xaa: {  	[dreg:$0x4] =	wrdreg $0xC0  }
0xab: {  	_ =	task [dreg:s7], $0x5FFFF  }
0xac: {  	[dreg:$0x1] =	wrdreg $0xFFFFFFFF  }
0xad: {  	[dreg:$0x0] =	wrdreg $0x60  }
0xae: {  	[dreg:$0x2] =	wrdreg s2  }
0xaf: {  	[dreg:$0x3] =	wrdreg s24  }
0xb0: {  	[dreg:$0x4] =	wrdreg $0xA8000  }
0xb1: {  	[dreg:$0x5] =	wrdreg $0x9  }
0xb2: {  	_ =	task.clear_ibuf [dreg:s7], $0x6FFFF;
	_ =	strace $0x9000004C  }
0xb3: {  	s29 =	simm.s32 $0x9;
	_ =	strace $0x8000004E  }
0xb4: {  	_ =	swait.ge [sflag:s29], $0x1  }
0xb5: {  	[sflag:s29] =	ssyncadd.s32 $0xFFFFFFFF  }
0xb6: {  	_ =	strace $0x9000004E  }
0xb7: {  	_ =	sfence  }
0xb8: {  	s30 =	sld [smem:$0x0];
	_ =	sdelay $0x2  }
0xb9: {  	s31 =	sshll.u32 s1, $0xD;
	s1 =	sshrl.u32 s1, $0x2  }
0xba: {  	s3 =	sand.u32 $0x4000, s31;
	s1 =	sadd.s32 s1, s30  }
0xbb: {  	s0 =	sor.u32 s3, s0;
	s1 =	sshll.u32 s1, $0x11  }
0xbc: {  	s0 =	sor.u32 s1, s0  }
0xbd: {  	s0 =	sadd.s32 $0x8F2B, s0  }
0xbe: {  	[sflag:s0] =	ssyncadd.remote.s32 $0x1  }
0xbf: {  	_ =	sfence.sel $0xFFFF  }
0xc0: {  	[dreg:$0x0] =	wrdreg $0xFFFFFFFF;
	(pc) =	sbr.abs _section_cstart, $3  }
0xc1: {  	[dreg:$0x1] =	wrdreg $0xFFFFFFFF  }
0xc2: {  	_ =	task.clear_ibuf [dreg:s7], $0x2FFFF;
	_ =	strace $0x9FFFFFFF  }
0xc3: {  	(tm) =	ssettm $0x7FFFFFFF  }
tec
execute0_lowered:
.L_overlay_start_1:
0x0: {  	(tag) =	ssettag $0x1  }
0x1: {  	s1 =	rddreg [dreg:$0x0]  }
0x2: {  	s6 =	rddreg [dreg:$0x1]  }
0x3: {  	s2 =	rddreg [dreg:$0x2]  }
0x4: {  	s0 =	rddreg [dreg:$0x3];
	s4 =	simm.s32 $0x0;
	s3 =	srdreg.scid  }
0x5: {  	s14 =	simm.s32 $0x50;
	s15 =	simm.s32 $0x8000;
	s16 =	simm.s32 $0x1  }
0x6: {  	s17 =	simm.s32 $0x0;
	s5 =	sand.u32 $0x1, s3;
	s3 =	stileid.u32  }
0x7: {  	[smem:$0x7FF] =	sst s4;
	s7 =	smul.u32 $0x140000, s5;
	s8 =	sshll.u32 s3, $0xC  }
0x8: {  	s9 =	sshll.u32 s5, $0xB;
	s10 =	smul.u32 $0x14000, s3;
	_ =	strace $0x8000004D  }
0x9: {  	s28 =	ssub.s32 $0x2, s5;
	s11 =	smul.u32 $0x50000, s3;
	s5 =	sadd.s32 $0x13E00, s6  }
0xa: {  	s31 =	sshll.u32 s3, $0x6;
	s8 =	sor.u32 s9, s8;
	s29 =	sshrl.u32 s28, $0x1  }
0xb: {  	s8 =	sadd.s32 s8, s6;
	s7 =	sadd.s32 s10, s7;
	s9 =	ssub.s32 s28, s29  }
0xc: {  	s30 =	sshrl.u32 s11, $0x2;
	s10 =	simm.s32 $0x2;
	s11 =	simm.s32 $0x4000  }
0xd: {  	s7 =	sshrl.u32 s7, $0x3;
	s13 =	sadd.s32 s30, s2;
	s9 =	smax.u32 s9, $0x1  }
0xe: {  	s12 =	sadd.s32 s7, s6;
	s6 =	sadd.s32 $0x66600, s8;
	s7 =	sadd.s32 $0x3E00, s8  }
0xf: {  	s13 =	sshrl.u32 s13, $0x3;
	s8 =	sadd.s32 $0x76600, s12;
	s12 =	sor.u32 $0x1C02, s31  }
.LBB2_1:
0x10: {  	[tilespmem:s4], [sflag:$0x2] =	stream.linear.gather [hbm4b:s6+s4], $0x3E80, $0x38;
	[tilespmem:$0x1E800] =	vst v63  }
0x11: {  	_ =	swait.ge [sflag:s10], $0x3E80  }
0x12: {  	[sflag:s10] =	ssyncset.done $0x0  }
0x13: {  	[sflag:s10] =	ssyncadd.s32 $0xFFFFC180  }
0x14: {  	[tilespmem:s11], [sflag:$0x2] =	stream.linear.gather [hbm4b:s7+s4], $0x3E80, $0x38;
	[tilespmem:$0x1E800] =	vst v63  }
0x15: {  	_ =	swait.ge [sflag:s10], $0x3E80  }
0x16: {  	[sflag:s10] =	ssyncset.done $0x0  }
0x17: {  	[sflag:s10] =	ssyncadd.s32 $0xFFFFC180  }
0x18: {  	[spmem:s13], [sflag:s12] =	dma.local [hbm:s5], $0x2800  }
0x19: {  	_ =	swait.ge [sflag:s10], $0x2800  }
0x1a: {  	[sflag:s10] =	ssyncset.done $0x0  }
0x1b: {  	[sflag:s10] =	ssyncadd.s32 $0xFFFFD800  }
0x1c: {  	s18 =	simm.s32 $0x0;
	[bflag:$0x0] =	sbarrier.arrive $0xFFFF  }
0x1d: {  	[tilespmem:s15], [sflag:$0x1] =	stream.indirect.gather [hbm4b:s1+s14], $0x80, s18, s14, $0xb8;
	[tilespmem:$0x1E800] =	vst v63  }
0x1e: {  	_ =	swait.ge [sflag:s16], $0x2800  }
0x1f: {  	[sflag:s16] =	ssyncset.done $0x0  }
0x20: {  	s31 =	simm.s32 $0x4000;
	[sflag:s16] =	ssyncadd.s32 $0xFFFFD800  }
0x21: {  	[spmem:s2] =	stream.indirect.scatter.add.f32 [tilespmem:s15], [sflag:$0x2], $0x80, s31, s14, $0xb8;
	[tilespmem:$0x1E800] =	vst v63  }
0x22: {  	_ =	swait.ge [sflag:s10], $0x2800  }
0x23: {  	s19 =	simm.s32 $0x400;
	s18 =	simm.s32 $0x200;
	[sflag:s10] =	ssyncset.done $0x0  }
.LBB2_2:
0x24: {  	s20 =	sshra.s32 s18, $0x2  }
0x25: {  	[sflag:s10] =	ssyncadd.s32 $0xFFFFD800;
	s18 =	smov.u32 s19;
	s21 =	sadd.s32 $0x200, s19  }
0x26: {  	[tilespmem:s15], [sflag:$0x1] =	stream.indirect.gather [hbm4b:s1+s14], $0x80, s20, s14, $0xb8;
	[tilespmem:$0x1E800] =	vst v63  }
0x27: {  	p0 =	sne.s32 s19, $0xF800;
	_ =	swait.ge [sflag:s16], $0x2800  }
.Ltmp0:
0x28: {  	[sflag:s16] =	ssyncset.done $0x0;
	(pc) =	sbr.rel @p0 .LBB2_2-.Ltmp0, $4  }
0x29: {  	s19 =	sadd.s32 $0x4000, s20;
	[sflag:s16] =	ssyncadd.s32 $0xFFFFD800  }
0x2a: {  	[spmem:s2] =	stream.indirect.scatter.add.f32 [tilespmem:s15], [sflag:$0x2], $0x80, s19, s14, $0xb8;
	[tilespmem:$0x1E800] =	vst v63  }
0x2b: {  	_ =	swait.ge [sflag:s10], $0x2800  }
0x2c: {  	s19 =	smov.u32 s21;
	[sflag:s10] =	ssyncset.done $0x0  }
0x2d: {  	s18 =	sshra.s32 s18, $0x2;
	[sflag:s10] =	ssyncadd.s32 $0xFFFFD800  }
0x2e: {  	[tilespmem:s15], [sflag:$0x1] =	stream.indirect.gather [hbm4b:s1+s14], $0x80, s18, s14, $0xb8;
	[tilespmem:$0x1E800] =	vst v63  }
0x2f: {  	_ =	swait.ge [sflag:s16], $0x2800  }
0x30: {  	[sflag:s16] =	ssyncset.done $0x0  }
0x31: {  	s18 =	sadd.s32 $0x4000, s18;
	[sflag:s16] =	ssyncadd.s32 $0xFFFFD800  }
0x32: {  	[spmem:s2] =	stream.indirect.scatter.add.f32 [tilespmem:s15], [sflag:$0x2], $0x80, s18, s14, $0xb8;
	[tilespmem:$0x1E800] =	vst v63  }
0x33: {  	_ =	swait.ge [sflag:s10], $0x2800  }
0x34: {  	s17 =	sadd.s32 $0x1, s17;
	[sflag:s10] =	ssyncset.done $0x0  }
0x35: {  	p0 =	sne.s32 s17, s9;
	[sflag:s10] =	ssyncadd.s32 $0xFFFFD800  }
.Ltmp1:
0x36: {  	[bflag:$0x0] =	sbarrier.arrive $0xFFFF;
	(pc) =	sbr.rel @p0 .LBB2_1-.Ltmp1, $4  }
0x37: {  	[hbm:s8], [sflag:s12] =	dma.local [spmem:s13], $0x2800  }
0x38: {  	_ =	swait.ge [sflag:s10], $0x2800  }
0x39: {  	[sflag:s10] =	ssyncset.done $0x0  }
0x3a: {  	[sflag:s10] =	ssyncadd.s32 $0xFFFFD800  }
0x3b: {  	_ =	sfence.sel $0x180000  }
0x3c: {  	[bflag:$0x0] =	sbarrier.arrive $0xFFFF  }
0x3d: {  	p0 =	sne.s32 s3, $0x0;
	_ =	strace $0x9000004D  }
0x3e: {  	s0 =	sadd.s32 @!p0 $0x100000, s0;
	[bflag:$0x2] =	sbarrier.arrive $0xFFFF  }
0x3f: {  	[sflag:s0] =	ssyncadd.tile.s32 @!p0 $0x1;
	_ =	shalt  }
.Lfunc_end2:
_tile_overlayer_lowered:
.L_overlay_start_2:
0x40: {  	(tag) =	ssettag $0x2  }
0x41: {  	s0 =	rddreg [dreg:$0x0];
	s2 =	stileid.u32  }
0x42: {  	s1 =	rddreg [dreg:$0x1];
	p0 =	sne.s32 s2, $0x0  }
0x43: {  	s3 =	rddreg [dreg:$0x2];
	[bflag:$0x3] =	sbarrier.arrive $0xFFFF;
	s2 =	simm.s32 @!p0 $0x1C02  }
0x44: {  	[timem:s3], [sflag:s2] =	dma.local @!p0 [hbm:s0], s1  }
0x45: {  	s0 =	simm.s32 @!p0 $0x2  }
0x46: {  	_ =	swait.ge @!p0 [sflag:s0], s1  }
0x47: {  	s1 =	ssub.s32 @!p0 $0x0, s1;
	[sflag:s0] =	ssyncset.done @!p0 $0x0  }
0x48: {  	[sflag:s0] =	ssyncadd.s32 @!p0 s1  }
0x49: {  	[bflag:$0x3] =	sbarrier.arrive $0xFFFF  }
0x4a: {  	_ =	shalt  }

// kernel: kernel.8.cloned.1.call-start
scs
__scs_entry_jumppad:
0x0: {  	(pc) =	sbr.rel $0x88, $3  }
0x1: {  	(tag) =	ssettag $0x0;
	lr =	simm.s32 $0x1  }
0x2: {  	[smem:$0x3F95] =	sst lr;
	_ =	strace $0xD0000000  }
0x3: {  	_ = 	snop  }
0x4: {  	_ = 	snop  }
0x5: {  	_ = 	snop  }
0x6: {  	_ = 	snop  }
0x7: {  	_ = 	snop  }
__scs_overlays_trampoline_lowered:
0x8: {  	[smem:$0x3FA4] =	sst s0  }
0x9: {  	[smem:$0x3FA5] =	sst s1  }
0xa: {  	[smem:$0x3FA6] =	sst s2  }
0xb: {  	[smem:$0x3FA7] =	sst s3  }
0xc: {  	[smem:$0x3FA8] =	sst s4  }
0xd: {  	[smem:$0x3FA9] =	sst s5  }
0xe: {  	[smem:$0x3FAA] =	sst s6  }
0xf: {  	[smem:$0x3FAB] =	sst s7  }
0x10: {  	[smem:$0x3FAC] =	sst s8  }
0x11: {  	[smem:$0x3FAD] =	sst s9;
	s0 =	simm.s32 @!p0 $0x0  }
0x12: {  	s1 =	sld [smem:$0x3F93];
	s0 =	simm.s32 @p0 $0x1  }
0x13: {  	[smem:$0x3FAE] =	sst s0;
	s0 =	simm.s32 @!p1 $0x0  }
0x14: {  	s2 =	sld [smem:$0x3F92];
	s0 =	simm.s32 @p1 $0x1  }
0x15: {  	[smem:$0x3FAF] =	sst s0;
	s0 =	simm.s32 @!p2 $0x0  }
0x16: {  	s3 =	sld [smem:$0x3FDB];
	s0 =	simm.s32 @p2 $0x1  }
0x17: {  	s4 =	simm.s32 $0x1BF5;
	[smem:$0x3FB1] =	sst s0  }
0x18: {  	s0 =	sld [smem:$0x3F94];
	_ =	swait.ge [sflag:s4], $0x0  }
0x19: {  	s7 =	sld [smem:$0x3F95]  }
0x1a: {  	s8 =	sadd.s32 $0xFFFFE003, lr  }
0x1b: {  	s9 =	sadd.s32 $0xFFFFFEF7, lr;
	s5 =	simm.s32 $0xFFFFFFFF;
	p2 =	slt.u32 s8, $0xFFFFF086  }
0x1c: {  	p1 =	slt.u32 s9, $0xF7A;
	s5 =	simm.s32 @!p2 $0x0  }
0x1d: {  	s5 =	simm.s32 @p1 $0x1;
	p0 =	seq.s32 s7, s2  }
0x1e: {  	s7 =	smul.u32 @!p0 $0xF7A, s2;
	p2 =	seq.s32 @!p0 s5, $0x0  }
0x1f: {  	s9 =	smul.u32 $0xF7A, s1;
	s8 =	simm.s32 @!p0 $0x1BF5;
	p2 =	por !p2, p0  }
0x20: {  	[sflag:s8] =	ssyncset.s32 @!p0 $0xFFFFF086;
	s6 =	sadd.s32 @!p0 s3, s7;
	s7 =	simm.s32 @!p0 $0x108  }
0x21: {  	s3 =	sadd.s32 s3, s9;
	s6 =	sadd.s32 @!p0 $0x88, s6;
	s7 =	simm.s32 @p2 $0x1082  }
0x22: {  	[simem:s7], [sflag:s8] =	dma.local @!p0 [hbm:s6], $0xF7A  }
0x23: {  	s9 =	sor.u32 $0xD0000000, s2;
	s6 =	simm.s32 $0x108;
	_ =	swait.ge @!p0 [sflag:s8], $0x0  }
0x24: {  	s3 =	sadd.s32 $0x88, s3;
	s6 =	simm.s32 @!p1 $0x1082;
	[sflag:s4] =	ssyncset.s32 $0xFFFFF086  }
0x25: {  	[simem:s6], [sflag:s4] =	dma.local [hbm:s3], $0xF7A  }
0x26: {  	[smem:$0x3F95] =	sst s1;
	(tag) =	ssettag s2;
	_ =	strace s9  }
0x27: {  	s1 =	sld [smem:$0x3FA5]  }
0x28: {  	s2 =	sld [smem:$0x3FA6]  }
0x29: {  	s4 =	sld [smem:$0x3FA8]  }
0x2a: {  	p0 =	seq.s32 s5, $0x0;
	s5 =	sld [smem:$0x3FA9]  }
0x2b: {  	s6 =	sld [smem:$0x3FAA]  }
0x2c: {  	s7 =	sld [smem:$0x3FAB]  }
0x2d: {  	s3 =	simm.s32 $0x108;
	s8 =	sld [smem:$0x3FAC]  }
0x2e: {  	s3 =	simm.s32 @!p0 $0x1082;
	s9 =	sld [smem:$0x3FAD]  }
0x2f: {  	lr =	sadd.s32 s0, s3;
	s0 =	sld [smem:$0x3FA4]  }
0x30: {  	s3 =	sld [smem:$0x3FA7]  }
0x31: {  	[smem:$0x3FB0] =	sst s10  }
0x32: {  	s10 =	sld [smem:$0x3FAE];
	_ =	sdelay $0x3  }
0x33: {  	p0 =	seq.s32 s10, $0x1;
	s10 =	sld [smem:$0x3FB0];
	_ =	sdelay $0x3  }
0x34: {  	[smem:$0x3FB0] =	sst s10  }
0x35: {  	s10 =	sld [smem:$0x3FAF];
	_ =	sdelay $0x3  }
0x36: {  	p1 =	seq.s32 s10, $0x1;
	s10 =	sld [smem:$0x3FB0];
	_ =	sdelay $0x3  }
0x37: {  	[smem:$0x3FB0] =	sst s10  }
0x38: {  	s10 =	sld [smem:$0x3FB1]  }
0x39: {  	_ = 	snop;
	(pc) =	sbr.ind lr, $3  }
0x3a: {  	_ = 	snop  }
0x3b: {  	_ = 	snop  }
0x3c: {  	p2 =	seq.s32 s10, $0x1;
	s10 =	sld [smem:$0x3FB0]  }
0x3d: {  	_ =	shalt  }
0x3e: {  	_ =	shalt  }
0x3f: {  	_ =	shalt  }
0x40: {  	_ =	shalt  }
0x41: {  	_ =	shalt  }
0x42: {  	_ =	shalt  }
0x43: {  	_ =	shalt  }
0x44: {  	_ =	shalt  }
0x45: {  	_ =	shalt  }
0x46: {  	_ =	shalt  }
0x47: {  	_ =	shalt  }
0x48: {  	_ =	shalt  }
0x49: {  	_ =	shalt  }
0x4a: {  	_ =	shalt  }
0x4b: {  	_ =	shalt  }
0x4c: {  	_ =	shalt  }
0x4d: {  	_ =	shalt  }
0x4e: {  	_ =	shalt  }
0x4f: {  	_ =	shalt  }
0x50: {  	_ =	shalt  }
0x51: {  	_ =	shalt  }
0x52: {  	_ =	shalt  }
0x53: {  	_ =	shalt  }
0x54: {  	_ =	shalt  }
0x55: {  	_ =	shalt  }
0x56: {  	_ =	shalt  }
0x57: {  	_ =	shalt  }
0x58: {  	_ =	shalt  }
0x59: {  	_ =	shalt  }
0x5a: {  	_ =	shalt  }
0x5b: {  	_ =	shalt  }
0x5c: {  	_ =	shalt  }
0x5d: {  	_ =	shalt  }
0x5e: {  	_ =	shalt  }
0x5f: {  	_ =	shalt  }
0x60: {  	_ =	shalt  }
0x61: {  	_ =	shalt  }
0x62: {  	_ =	shalt  }
0x63: {  	_ =	shalt  }
0x64: {  	_ =	shalt  }
0x65: {  	_ =	shalt  }
0x66: {  	_ =	shalt  }
0x67: {  	_ =	shalt  }
0x68: {  	_ =	shalt  }
0x69: {  	_ =	shalt  }
0x6a: {  	_ =	shalt  }
0x6b: {  	_ =	shalt  }
0x6c: {  	_ =	shalt  }
0x6d: {  	_ =	shalt  }
0x6e: {  	_ =	shalt  }
0x6f: {  	_ =	shalt  }
0x70: {  	_ =	shalt  }
0x71: {  	_ =	shalt  }
0x72: {  	_ =	shalt  }
0x73: {  	_ =	shalt  }
0x74: {  	_ =	shalt  }
0x75: {  	_ =	shalt  }
0x76: {  	_ =	shalt  }
0x77: {  	_ =	shalt  }
0x78: {  	_ =	shalt  }
0x79: {  	_ =	shalt  }
0x7a: {  	_ =	shalt  }
0x7b: {  	_ =	shalt  }
0x7c: {  	_ =	shalt  }
0x7d: {  	_ =	shalt  }
0x7e: {  	_ =	shalt  }
0x7f: {  	_ =	shalt  }
0x80: {  	_ =	shalt  }
0x81: {  	_ =	shalt  }
0x82: {  	_ =	shalt  }
0x83: {  	_ =	shalt  }
0x84: {  	_ =	shalt  }
0x85: {  	_ =	shalt  }
0x86: {  	_ =	shalt  }
0x87: {  	_ =	shalt  }
.Lfunc_end0:
.L_simem_size_0:
called_computation_lowered:
.L_overlay_start_0:
0x88: {  	s2 =	sld [smem:$0x3FD9]  }
0x89: {  	s3 =	sld [smem:$0x3FFE];
	_ =	sdelay $0x1  }
0x8a: {  	s1 =	srdreg.scid  }
0x8b: {  	s0 =	sand.u32 $0x1, s1  }
0x8c: {  	s17 =	sshll.u32 s0, $0xA;
	s2 =	sadd.s32 s3, s2  }
0x8d: {  	s2 =	sadd.s32 s2, s17  }
0x8e: {  	[smem:$0x3FBC] =	sst s2  }
0x8f: {  	_ = 	snop  }
0x90: {  	s2 =	sld [smem:$0x3FD0];
	(tm) =	ssettm $0x1  }
0x91: {  	s18 =	sld [smem:$0x3FFB];
	_ =	sdelay $0x3  }
0x92: {  	_ =	strace s18  }
0x93: {  	s3 =	sld [smem:$0x3FFC];
	_ =	sdelay $0x3  }
0x94: {  	_ =	strace s3  }
0x95: {  	s3 =	sld [smem:$0x3FFD];
	_ =	sdelay $0x3  }
0x96: {  	_ =	strace s3  }
0x97: {  	_ =	strace $0x8FFFFFFF  }
0x98: {  	s19 =	sld [smem:$0x3FDB];
	_ =	sdelay $0x1  }
0x99: {  	s4 =	simm.s32 $_scs_section_size  }
0x9a: {  	s5 =	simm.s32 $_size__tile_overlayer_lowered;
	s6 =	simm.s32 $_tile_overlayer_lowered  }
0x9b: {  	s22 =	simm.s32 $0x1BFF;
	s21 =	sshll.u32 s6, $0x1;
	s3 =	sadd.s32 s4, s19  }
0x9c: {  	s7 =	simm.s32 $0x0;
	s20 =	sshll.u32 s5, $0x1;
	s5 =	sadd.s32 s21, s3  }
0x9d: {  	[timem:s7], [sflag:s22] =	dma.local [hbm:s5], s20  }
0x9e: {  	_ =	swait.ge [sflag:s22], s20  }
0x9f: {  	s4 =	ssub.s32 $0x0, s20;
	[sflag:s22] =	ssyncset.done $0x0  }
0xa0: {  	[sflag:s22] =	ssyncadd.s32 s4;
	_ =	sdelay $0x1  }
0xa1: {  	s23 =	simm.s32 $0x1B8B  }
0xa2: {  	_ =	swait.ge [sflag:s23], $0x1  }
0xa3: {  	[sflag:s23] =	ssyncset.done $0x0  }
0xa4: {  	s25 =	simm.s32 $0x1B8E;
	s24 =	sld [smem:$0x3FFE];
	[sflag:s23] =	ssyncadd.s32 $0xFFFFFFFF  }
0xa5: {  	s26 =	simm.s32 $execute0_lowered;
	[smem:$0x3FD2] =	sst s25  }
0xa6: {  	s5 =	sshll.u32 s26, $0x1;
	_ =	strace $0x80000046;
	[dreg:$0x1] =	wrdreg $0xFFFFFFFF  }
0xa7: {  	s28 =	simm.s32 $_size_execute0_lowered;
	s3 =	sadd.s32 s3, s5;
	[dreg:$0x0] =	wrdreg $0x0  }
0xa8: {  	s5 =	sshll.u32 s28, $0x1;
	[dreg:$0x2] =	wrdreg s3  }
0xa9: {  	[dreg:$0x3] =	wrdreg s5  }
0xaa: {  	[dreg:$0x4] =	wrdreg $0xC0  }
0xab: {  	_ =	task [dreg:s7], $0x5FFFF  }
0xac: {  	[dreg:$0x1] =	wrdreg $0xFFFFFFFF  }
0xad: {  	[dreg:$0x0] =	wrdreg $0x60  }
0xae: {  	[dreg:$0x2] =	wrdreg s24  }
0xaf: {  	[dreg:$0x3] =	wrdreg s2  }
0xb0: {  	[dreg:$0x4] =	wrdreg $0x68000  }
0xb1: {  	[dreg:$0x5] =	wrdreg $0x9  }
0xb2: {  	_ =	task.clear_ibuf [dreg:s7], $0x6FFFF;
	_ =	strace $0x90000046  }
0xb3: {  	s29 =	simm.s32 $0x9;
	_ =	strace $0x80000048  }
0xb4: {  	_ =	swait.ge [sflag:s29], $0x1  }
0xb5: {  	[sflag:s29] =	ssyncadd.s32 $0xFFFFFFFF  }
0xb6: {  	_ =	strace $0x90000048  }
0xb7: {  	_ =	sfence  }
0xb8: {  	s30 =	sld [smem:$0x0];
	_ =	sdelay $0x2  }
0xb9: {  	s31 =	sshll.u32 s1, $0xD;
	s1 =	sshrl.u32 s1, $0x2  }
0xba: {  	s3 =	sand.u32 $0x4000, s31;
	s1 =	sadd.s32 s1, s30  }
0xbb: {  	s0 =	sor.u32 s3, s0;
	s1 =	sshll.u32 s1, $0x11  }
0xbc: {  	s0 =	sor.u32 s1, s0  }
0xbd: {  	s0 =	sadd.s32 $0x8F2B, s0  }
0xbe: {  	[sflag:s0] =	ssyncadd.remote.s32 $0x1  }
0xbf: {  	_ =	sfence.sel $0xFFFF  }
0xc0: {  	[dreg:$0x0] =	wrdreg $0xFFFFFFFF;
	(pc) =	sbr.abs _section_cstart, $3  }
0xc1: {  	[dreg:$0x1] =	wrdreg $0xFFFFFFFF  }
0xc2: {  	_ =	task.clear_ibuf [dreg:s7], $0x2FFFF;
	_ =	strace $0x9FFFFFFF  }
0xc3: {  	(tm) =	ssettm $0x7FFFFFFF  }
tec
execute0_lowered:
.L_overlay_start_1:
0x0: {  	(tag) =	ssettag $0x1  }
0x1: {  	s6 =	rddreg [dreg:$0x0]  }
0x2: {  	s2 =	rddreg [dreg:$0x1];
	s0 =	srdreg.scid  }
0x3: {  	s3 =	rddreg [dreg:$0x2];
	s1 =	stileid.u32;
	s4 =	simm.s32 $0x0  }
0x4: {  	s13 =	simm.s32 $0x50;
	s7 =	sand.u32 $0x1, s0;
	s0 =	rddreg [dreg:$0x3]  }
0x5: {  	s14 =	simm.s32 $0x0;
	s8 =	smul.u32 $0x14000, s1;
	[smem:$0x7FF] =	sst s4  }
0x6: {  	s10 =	smul.u32 $0x50000, s1;
	s28 =	sshll.u32 s1, $0xC;
	s31 =	sshll.u32 s1, $0x6  }
0x7: {  	s5 =	smul.u32 $0x140000, s7;
	s9 =	sshll.u32 s7, $0xB;
	s26 =	ssub.s32 $0x2, s7  }
0x8: {  	_ =	strace $0x80000047;
	s9 =	sadd.s32 s9, s6;
	s11 =	sshrl.u32 s26, $0x1  }
0x9: {  	s29 =	sshrl.u32 s10, $0x2;
	s10 =	simm.s32 $0x4000;
	s8 =	sadd.s32 s8, s5  }
0xa: {  	s5 =	sadd.s32 $0x13E00, s6;
	s7 =	sadd.s32 s28, s9;
	s30 =	ssub.s32 s26, s11  }
0xb: {  	s12 =	sadd.s32 s29, s3;
	s9 =	simm.s32 $0x1;
	s8 =	sshrl.u32 s8, $0x3  }
0xc: {  	s11 =	sor.u32 $0x1C01, s31;
	s12 =	sshrl.u32 s12, $0x3;
	s8 =	sadd.s32 s8, s6  }
0xd: {  	s6 =	sadd.s32 $0x3E00, s7;
	s7 =	sadd.s32 $0x16600, s8;
	s8 =	smax.u32 s30, $0x1  }
.LBB2_1:
0xe: {  	[tilespmem:s4], [sflag:$0x1] =	stream.linear.gather [hbm4b:s6+s4], $0x3E80, $0x38;
	[tilespmem:$0x1A800] =	vst v63  }
0xf: {  	_ =	swait.ge [sflag:s9], $0x3E80  }
0x10: {  	[sflag:s9] =	ssyncset.done $0x0  }
0x11: {  	[sflag:s9] =	ssyncadd.s32 $0xFFFFC180  }
0x12: {  	[tilespmem:s10], [sflag:$0x1] =	stream.linear.gather [hbm4b:s2+s4], $0x2800, $0x38;
	[tilespmem:$0x1A800] =	vst v63  }
0x13: {  	_ =	swait.ge [sflag:s9], $0x2800  }
0x14: {  	[sflag:s9] =	ssyncset.done $0x0  }
0x15: {  	[sflag:s9] =	ssyncadd.s32 $0xFFFFD800  }
0x16: {  	[spmem:s12], [sflag:s11] =	dma.local [hbm:s5], $0x2800  }
0x17: {  	_ =	swait.ge [sflag:s9], $0x2800  }
0x18: {  	[sflag:s9] =	ssyncset.done $0x0  }
0x19: {  	[sflag:s9] =	ssyncadd.s32 $0xFFFFD800  }
0x1a: {  	s15 =	simm.s32 $0x0;
	[bflag:$0x0] =	sbarrier.arrive $0xFFFF  }
0x1b: {  	[spmem:s3] =	stream.indirect.scatter.add.f32 [tilespmem:s10], [sflag:$0x1], $0x80, s15, s13, $0xb8;
	[tilespmem:$0x1A800] =	vst v63  }
0x1c: {  	_ =	swait.ge [sflag:s9], $0x2800  }
0x1d: {  	s15 =	simm.s32 $0x200;
	[sflag:s9] =	ssyncset.done $0x0  }
.LBB2_2:
0x1e: {  	s16 =	sshra.s32 s15, $0x2;
	[sflag:s9] =	ssyncadd.s32 $0xFFFFD800;
	p0 =	sne.s32 s15, $0xF800  }
0x1f: {  	[spmem:s3] =	stream.indirect.scatter.add.f32 [tilespmem:s10], [sflag:$0x1], $0x80, s16, s13, $0xb8;
	[tilespmem:$0x1A800] =	vst v63  }
.Ltmp0:
0x20: {  	_ = 	snop;
	(pc) =	sbr.rel @p0 .LBB2_2-.Ltmp0, $4  }
0x21: {  	_ = 	snop  }
0x22: {  	s15 =	sadd.s32 $0x200, s15  }
0x23: {  	_ =	swait.ge [sflag:s9], $0x2800  }
0x24: {  	[sflag:s9] =	ssyncset.done $0x0  }
0x25: {  	s14 =	sadd.s32 $0x1, s14  }
0x26: {  	[sflag:s9] =	ssyncadd.s32 $0xFFFFD800;
	p0 =	sne.s32 s14, s8  }
.Ltmp1:
0x27: {  	[bflag:$0x0] =	sbarrier.arrive $0xFFFF;
	(pc) =	sbr.rel @p0 .LBB2_1-.Ltmp1, $4  }
0x28: {  	[hbm:s7], [sflag:s11] =	dma.local [spmem:s12], $0x2800  }
0x29: {  	_ =	swait.ge [sflag:s9], $0x2800  }
0x2a: {  	[sflag:s9] =	ssyncset.done $0x0  }
0x2b: {  	[sflag:s9] =	ssyncadd.s32 $0xFFFFD800  }
0x2c: {  	_ =	sfence.sel $0x180000  }
0x2d: {  	[bflag:$0x0] =	sbarrier.arrive $0xFFFF  }
0x2e: {  	p0 =	sne.s32 s1, $0x0;
	_ =	strace $0x90000047  }
0x2f: {  	s0 =	sadd.s32 @!p0 $0x100000, s0;
	[bflag:$0x2] =	sbarrier.arrive $0xFFFF  }
0x30: {  	[sflag:s0] =	ssyncadd.tile.s32 @!p0 $0x1;
	_ =	shalt  }
.Lfunc_end2:
_tile_overlayer_lowered:
.L_overlay_start_2:
0x31: {  	(tag) =	ssettag $0x2  }
0x32: {  	s0 =	rddreg [dreg:$0x0];
	s2 =	stileid.u32  }
0x33: {  	s1 =	rddreg [dreg:$0x1];
	p0 =	sne.s32 s2, $0x0  }
0x34: {  	s3 =	rddreg [dreg:$0x2];
	[bflag:$0x3] =	sbarrier.arrive $0xFFFF;
	s2 =	simm.s32 @!p0 $0x1C01  }
0x35: {  	[timem:s3], [sflag:s2] =	dma.local @!p0 [hbm:s0], s1  }
0x36: {  	s0 =	simm.s32 @!p0 $0x1  }
0x37: {  	_ =	swait.ge @!p0 [sflag:s0], s1  }
0x38: {  	s1 =	ssub.s32 @!p0 $0x0, s1;
	[sflag:s0] =	ssyncset.done @!p0 $0x0  }
0x39: {  	[sflag:s0] =	ssyncadd.s32 @!p0 s1  }
0x3a: {  	[bflag:$0x3] =	sbarrier.arrive $0xFFFF  }
0x3b: {  	_ =	shalt  }

</sc_bundles>
